<compile_context>
chip_gen: v7x
topology: tpu7x:2x2x1
jax: 0.10.2.dev20260603
libtpu: 0.0.44.dev20260713+nightly
codegen_flags: <defaults>
</compile_context>

<pallas_src>
import functools

import jax
import jax.numpy as jnp
from jax import lax
from jax.experimental import pallas as pl
from jax.experimental.pallas import tpu as pltpu
from jax.experimental.pallas import tpu_sc as plsc

NUM_RESERVOIRS = 8192
EMBEDDING_DIM = 256
NUM_IDS = 262144

_info = plsc.get_sparse_core_info()
_NC = _info.num_cores
_NS = _info.num_subcores
_NW = _NC * _NS
_B_PER_W = NUM_IDS // _NW
_CHUNK = 32
_N_CHUNKS = _B_PER_W // _CHUNK
_NBUF = 8
_D = 4

_mesh = plsc.VectorSubcoreMesh(core_axis_name="c", subcore_axis_name="s")


@functools.partial(
    pl.kernel,
    mesh=_mesh,
    out_type=jax.ShapeDtypeStruct((NUM_IDS, EMBEDDING_DIM), jnp.float32),
    scratch_types=[
        pltpu.VMEM((_B_PER_W,), jnp.int32),
    ] + [pltpu.VMEM((_CHUNK, EMBEDDING_DIM), jnp.float32)] * _NBUF
      + [pltpu.SemaphoreType.DMA] * (2 * _NBUF),
)
def _gather_sc(table_hbm, idx_hbm, out_hbm, idx_v,
               r0, r1, r2, r3, r4, r5, r6, r7,
               g0, g1, g2, g3, g4, g5, g6, g7,
               o0, o1, o2, o3, o4, o5, o6, o7):
    rows = (r0, r1, r2, r3, r4, r5, r6, r7)
    gsem = (g0, g1, g2, g3, g4, g5, g6, g7)
    osem = (o0, o1, o2, o3, o4, o5, o6, o7)
    wid = lax.axis_index("s") * _NC + lax.axis_index("c")
    base = wid * _B_PER_W
    pltpu.sync_copy(idx_hbm.at[pl.ds(base, _B_PER_W)], idx_v)

    def start_gather(c, b):
        pltpu.async_copy(
            table_hbm.at[idx_v.at[pl.ds(c * _CHUNK, _CHUNK)]], rows[b], gsem[b])

    def wait_gather(b):
        pltpu.make_async_copy(
            table_hbm.at[pl.ds(0, _CHUNK)], rows[b], gsem[b]).wait()

    def start_out(c, b):
        pltpu.async_copy(
            rows[b], out_hbm.at[pl.ds(base + c * _CHUNK, _CHUNK)], osem[b])

    def wait_out(b):
        pltpu.make_async_copy(
            rows[b], out_hbm.at[pl.ds(base, _CHUNK)], osem[b]).wait()

    for b in range(_D):
        start_gather(b, b)
    for c in range(_D):
        start_gather(c + _D, (c + _D) % _NBUF)
        wait_gather(c % _NBUF)
        start_out(c, c % _NBUF)

    def outer(i, carry):
        for j in range(_NBUF):
            c = i * _NBUF + _D + j
            b = (_D + j) % _NBUF
            wait_out(j)
            start_gather(c + _D, j)
            wait_gather(b)
            start_out(c, b)
        return carry

    lax.fori_loop(0, (_N_CHUNKS - 2 * _D) // _NBUF, outer, 0)

    for k in range(_D):
        c = _N_CHUNKS - _D + k
        wait_out((c - _D) % _NBUF)
        wait_gather(c % _NBUF)
        start_out(c, c % _NBUF)
    for k in range(_D):
        wait_out((_N_CHUNKS - _D + k) % _NBUF)


def kernel(prototypes, reservoir_ids):
    idx = reservoir_ids.astype(jnp.int32)
    return _gather_sc(prototypes, idx)

# --- scband reference (transcript-rebuilt; emitter-appended) ---
"""Pipeline reference for scband-prototype-dict-32856499814916 (READ-ONLY COPY).

The authoritative reference and input builder live on the scoring server;
editing this copy changes nothing except your own understanding.
"""

import jax, jax.numpy as jnp
import numpy as np

NUM_RESERVOIRS = 8192
EMBEDDING_DIM = 256
NUM_IDS = 262144

def setup_inputs(seed: int = 0) -> dict:
    key = jax.random.key(seed)
    k1, k2 = jax.random.split(key)
    # Learned/buffer state: prototype table. In the torch module it is a zero-initialized
    # buffer updated by momentum; for benchmarking we materialize a populated table.
    prototypes = jax.random.normal(k1, (NUM_RESERVOIRS, EMBEDDING_DIM), dtype=jnp.float32)
    reservoir_ids = jax.random.randint(k2, (NUM_IDS,), 0, NUM_RESERVOIRS, dtype=jnp.int64)
    return {"prototypes": prototypes, "reservoir_ids": reservoir_ids}

def reference(prototypes, reservoir_ids):
    # PrototypeDict.get_prototypes: self.prototypes[reservoir_ids]
    return jnp.take(prototypes, reservoir_ids, axis=0)

if __name__ == "__main__":
    import jax
    _d = setup_inputs()
    print(jax.jit(kernel)(*tuple(_d.values())))

</pallas_src>

<mosaic_0001>
#map = affine_map<(d0, d1) -> (0, 0)>
#map1 = affine_map<(d0, d1) -> (0)>
module attributes {stable_mosaic.version = 14 : i64} {
  func.func @_gather_sc(%arg0: i32, %arg1: i32, %arg2: memref<8192x256xf32, #tpu.memory_space<hbm>>, %arg3: memref<262144xi32, #tpu.memory_space<hbm>>, %arg4: memref<262144x256xf32, #tpu.memory_space<hbm>>, %arg5: memref<8192xi32, #tpu.memory_space<vmem>>, %arg6: memref<32x256xf32, #tpu.memory_space<vmem>>, %arg7: memref<32x256xf32, #tpu.memory_space<vmem>>, %arg8: memref<32x256xf32, #tpu.memory_space<vmem>>, %arg9: memref<32x256xf32, #tpu.memory_space<vmem>>, %arg10: memref<32x256xf32, #tpu.memory_space<vmem>>, %arg11: memref<32x256xf32, #tpu.memory_space<vmem>>, %arg12: memref<32x256xf32, #tpu.memory_space<vmem>>, %arg13: memref<32x256xf32, #tpu.memory_space<vmem>>, %arg14: memref<!tpu.dma_semaphore, #tpu.memory_space<semaphore_mem>>, %arg15: memref<!tpu.dma_semaphore, #tpu.memory_space<semaphore_mem>>, %arg16: memref<!tpu.dma_semaphore, #tpu.memory_space<semaphore_mem>>, %arg17: memref<!tpu.dma_semaphore, #tpu.memory_space<semaphore_mem>>, %arg18: memref<!tpu.dma_semaphore, #tpu.memory_space<semaphore_mem>>, %arg19: memref<!tpu.dma_semaphore, #tpu.memory_space<semaphore_mem>>, %arg20: memref<!tpu.dma_semaphore, #tpu.memory_space<semaphore_mem>>, %arg21: memref<!tpu.dma_semaphore, #tpu.memory_space<semaphore_mem>>, %arg22: memref<!tpu.dma_semaphore, #tpu.memory_space<semaphore_mem>>, %arg23: memref<!tpu.dma_semaphore, #tpu.memory_space<semaphore_mem>>, %arg24: memref<!tpu.dma_semaphore, #tpu.memory_space<semaphore_mem>>, %arg25: memref<!tpu.dma_semaphore, #tpu.memory_space<semaphore_mem>>, %arg26: memref<!tpu.dma_semaphore, #tpu.memory_space<semaphore_mem>>, %arg27: memref<!tpu.dma_semaphore, #tpu.memory_space<semaphore_mem>>, %arg28: memref<!tpu.dma_semaphore, #tpu.memory_space<semaphore_mem>>, %arg29: memref<!tpu.dma_semaphore, #tpu.memory_space<semaphore_mem>>) attributes {dimension_semantics = [#tpu.dimension_semantics<core_parallel>, #tpu.dimension_semantics<subcore_parallel>], iteration_bounds = array<i64: 2, 16>, scalar_prefetch = 0 : i64, scratch_operands = 25 : i64, tpu.core_type = #tpu.core_type<sc_vector_subcore>, window_params = [{transform_indices = #map}, {transform_indices = #map1}, {transform_indices = #map}]} {
    %mul3A = arith.constant 2 : i32
    %mul3A_0 = arith.muli %arg1, %mul3A : i32
    %add3A = arith.addi %mul3A_0, %arg0 : i32
    %mul3A_1 = arith.constant 8192 : i32
    %mul3A_2 = arith.muli %add3A, %mul3A_1 : i32
    "tpu.region"() ({
      %run_scoped3A = tpu.sem_alloc : memref<!tpu.dma_semaphore, #tpu.memory_space<semaphore_mem>>
      %dma_start3A_174 = tpu.memref_slice %arg3[%mul3A_2] : memref<262144xi32, #tpu.memory_space<hbm>> -> memref<8192xi32, #tpu.memory_space<hbm>>
      %dma_start3A_175 = tpu.memref_slice %arg3[%mul3A_2] : memref<262144xi32, #tpu.memory_space<hbm>> -> memref<8192xi32, #tpu.memory_space<hbm>>
      tpu.enqueue_dma source(%dma_start3A_175 : memref<8192xi32, #tpu.memory_space<hbm>>) target(%arg5 : memref<8192xi32, #tpu.memory_space<vmem>>) target_semaphore(%run_scoped3A : memref<!tpu.dma_semaphore, #tpu.memory_space<semaphore_mem>>)
      %dma_wait3A_176 = tpu.memref_slice %arg3[%mul3A_2] : memref<262144xi32, #tpu.memory_space<hbm>> -> memref<8192xi32, #tpu.memory_space<hbm>>
      %dma_wait3A_177 = tpu.memref_slice %arg3[%mul3A_2] : memref<262144xi32, #tpu.memory_space<hbm>> -> memref<8192xi32, #tpu.memory_space<hbm>>
      tpu.wait_dma2 semaphore(%run_scoped3A : memref<!tpu.dma_semaphore, #tpu.memory_space<semaphore_mem>>) src(%dma_wait3A_177 : memref<8192xi32, #tpu.memory_space<hbm>>) dst(%arg5 : memref<8192xi32, #tpu.memory_space<vmem>>)
      tpu.yield
    }) : () -> ()
    %dma_start3A = arith.constant 0 : i32
    %dma_start3A_3 = tpu.memref_slice %arg5[%dma_start3A] : memref<8192xi32, #tpu.memory_space<vmem>> -> memref<32xi32, #tpu.memory_space<vmem>>
    %dma_start3A_4 = arith.constant 0 : i32
    %dma_start3A_5 = arith.constant 0 : i32
    %dma_start3A_6 = tpu.memref_slice %arg2[%dma_start3A_4, %dma_start3A_5] : memref<8192x256xf32, #tpu.memory_space<hbm>> -> memref<8192x256xf32, #tpu.memory_space<hbm>>
    tpu.enqueue_indirect_dma source(%dma_start3A_6 : memref<8192x256xf32, #tpu.memory_space<hbm>>) target(%arg6 : memref<32x256xf32, #tpu.memory_space<vmem>>) offsets(%dma_start3A_3 : memref<32xi32, #tpu.memory_space<vmem>>) semaphore(%arg14 : memref<!tpu.dma_semaphore, #tpu.memory_space<semaphore_mem>>)
    %dma_start3A_7 = arith.constant 32 : i32
    %dma_start3A_8 = tpu.memref_slice %arg5[%dma_start3A_7] : memref<8192xi32, #tpu.memory_space<vmem>> -> memref<32xi32, #tpu.memory_space<vmem>>
    %dma_start3A_9 = arith.constant 0 : i32
    %dma_start3A_10 = arith.constant 0 : i32
    %dma_start3A_11 = tpu.memref_slice %arg2[%dma_start3A_9, %dma_start3A_10] : memref<8192x256xf32, #tpu.memory_space<hbm>> -> memref<8192x256xf32, #tpu.memory_space<hbm>>
    tpu.enqueue_indirect_dma source(%dma_start3A_11 : memref<8192x256xf32, #tpu.memory_space<hbm>>) target(%arg7 : memref<32x256xf32, #tpu.memory_space<vmem>>) offsets(%dma_start3A_8 : memref<32xi32, #tpu.memory_space<vmem>>) semaphore(%arg15 : memref<!tpu.dma_semaphore, #tpu.memory_space<semaphore_mem>>)
    %dma_start3A_12 = arith.constant 64 : i32
    %dma_start3A_13 = tpu.memref_slice %arg5[%dma_start3A_12] : memref<8192xi32, #tpu.memory_space<vmem>> -> memref<32xi32, #tpu.memory_space<vmem>>
    %dma_start3A_14 = arith.constant 0 : i32
    %dma_start3A_15 = arith.constant 0 : i32
    %dma_start3A_16 = tpu.memref_slice %arg2[%dma_start3A_14, %dma_start3A_15] : memref<8192x256xf32, #tpu.memory_space<hbm>> -> memref<8192x256xf32, #tpu.memory_space<hbm>>
    tpu.enqueue_indirect_dma source(%dma_start3A_16 : memref<8192x256xf32, #tpu.memory_space<hbm>>) target(%arg8 : memref<32x256xf32, #tpu.memory_space<vmem>>) offsets(%dma_start3A_13 : memref<32xi32, #tpu.memory_space<vmem>>) semaphore(%arg16 : memref<!tpu.dma_semaphore, #tpu.memory_space<semaphore_mem>>)
    %dma_start3A_17 = arith.constant 96 : i32
    %dma_start3A_18 = tpu.memref_slice %arg5[%dma_start3A_17] : memref<8192xi32, #tpu.memory_space<vmem>> -> memref<32xi32, #tpu.memory_space<vmem>>
    %dma_start3A_19 = arith.constant 0 : i32
    %dma_start3A_20 = arith.constant 0 : i32
    %dma_start3A_21 = tpu.memref_slice %arg2[%dma_start3A_19, %dma_start3A_20] : memref<8192x256xf32, #tpu.memory_space<hbm>> -> memref<8192x256xf32, #tpu.memory_space<hbm>>
    tpu.enqueue_indirect_dma source(%dma_start3A_21 : memref<8192x256xf32, #tpu.memory_space<hbm>>) target(%arg9 : memref<32x256xf32, #tpu.memory_space<vmem>>) offsets(%dma_start3A_18 : memref<32xi32, #tpu.memory_space<vmem>>) semaphore(%arg17 : memref<!tpu.dma_semaphore, #tpu.memory_space<semaphore_mem>>)
    %dma_start3A_22 = arith.constant 128 : i32
    %dma_start3A_23 = tpu.memref_slice %arg5[%dma_start3A_22] : memref<8192xi32, #tpu.memory_space<vmem>> -> memref<32xi32, #tpu.memory_space<vmem>>
    %dma_start3A_24 = arith.constant 0 : i32
    %dma_start3A_25 = arith.constant 0 : i32
    %dma_start3A_26 = tpu.memref_slice %arg2[%dma_start3A_24, %dma_start3A_25] : memref<8192x256xf32, #tpu.memory_space<hbm>> -> memref<8192x256xf32, #tpu.memory_space<hbm>>
    tpu.enqueue_indirect_dma source(%dma_start3A_26 : memref<8192x256xf32, #tpu.memory_space<hbm>>) target(%arg10 : memref<32x256xf32, #tpu.memory_space<vmem>>) offsets(%dma_start3A_23 : memref<32xi32, #tpu.memory_space<vmem>>) semaphore(%arg18 : memref<!tpu.dma_semaphore, #tpu.memory_space<semaphore_mem>>)
    %dma_wait3A = arith.constant 0 : i32
    %dma_wait3A_27 = arith.constant 0 : i32
    %dma_wait3A_28 = tpu.memref_slice %arg2[%dma_wait3A, %dma_wait3A_27] : memref<8192x256xf32, #tpu.memory_space<hbm>> -> memref<32x256xf32, #tpu.memory_space<hbm>>
    %dma_wait3A_29 = arith.constant 0 : i32
    %dma_wait3A_30 = arith.constant 0 : i32
    %dma_wait3A_31 = tpu.memref_slice %arg2[%dma_wait3A_29, %dma_wait3A_30] : memref<8192x256xf32, #tpu.memory_space<hbm>> -> memref<32x256xf32, #tpu.memory_space<hbm>>
    tpu.wait_dma2 semaphore(%arg14 : memref<!tpu.dma_semaphore, #tpu.memory_space<semaphore_mem>>) src(%dma_wait3A_31 : memref<32x256xf32, #tpu.memory_space<hbm>>) dst(%arg6 : memref<32x256xf32, #tpu.memory_space<vmem>>)
    %add3A_32 = arith.constant 0 : i32
    %add3A_33 = arith.addi %mul3A_2, %add3A_32 : i32
    %dma_start3A_34 = arith.constant 0 : i32
    %dma_start3A_35 = tpu.memref_slice %arg4[%add3A_33, %dma_start3A_34] : memref<262144x256xf32, #tpu.memory_space<hbm>> -> memref<32x256xf32, #tpu.memory_space<hbm>>
    %dma_start3A_36 = arith.constant 0 : i32
    %dma_start3A_37 = tpu.memref_slice %arg4[%add3A_33, %dma_start3A_36] : memref<262144x256xf32, #tpu.memory_space<hbm>> -> memref<32x256xf32, #tpu.memory_space<hbm>>
    tpu.enqueue_dma source(%arg6 : memref<32x256xf32, #tpu.memory_space<vmem>>) target(%dma_start3A_37 : memref<32x256xf32, #tpu.memory_space<hbm>>) target_semaphore(%arg22 : memref<!tpu.dma_semaphore, #tpu.memory_space<semaphore_mem>>)
    %dma_start3A_38 = arith.constant 160 : i32
    %dma_start3A_39 = tpu.memref_slice %arg5[%dma_start3A_38] : memref<8192xi32, #tpu.memory_space<vmem>> -> memref<32xi32, #tpu.memory_space<vmem>>
    %dma_start3A_40 = arith.constant 0 : i32
    %dma_start3A_41 = arith.constant 0 : i32
    %dma_start3A_42 = tpu.memref_slice %arg2[%dma_start3A_40, %dma_start3A_41] : memref<8192x256xf32, #tpu.memory_space<hbm>> -> memref<8192x256xf32, #tpu.memory_space<hbm>>
    tpu.enqueue_indirect_dma source(%dma_start3A_42 : memref<8192x256xf32, #tpu.memory_space<hbm>>) target(%arg11 : memref<32x256xf32, #tpu.memory_space<vmem>>) offsets(%dma_start3A_39 : memref<32xi32, #tpu.memory_space<vmem>>) semaphore(%arg19 : memref<!tpu.dma_semaphore, #tpu.memory_space<semaphore_mem>>)
    %dma_wait3A_43 = arith.constant 0 : i32
    %dma_wait3A_44 = arith.constant 0 : i32
    %dma_wait3A_45 = tpu.memref_slice %arg2[%dma_wait3A_43, %dma_wait3A_44] : memref<8192x256xf32, #tpu.memory_space<hbm>> -> memref<32x256xf32, #tpu.memory_space<hbm>>
    %dma_wait3A_46 = arith.constant 0 : i32
    %dma_wait3A_47 = arith.constant 0 : i32
    %dma_wait3A_48 = tpu.memref_slice %arg2[%dma_wait3A_46, %dma_wait3A_47] : memref<8192x256xf32, #tpu.memory_space<hbm>> -> memref<32x256xf32, #tpu.memory_space<hbm>>
    tpu.wait_dma2 semaphore(%arg15 : memref<!tpu.dma_semaphore, #tpu.memory_space<semaphore_mem>>) src(%dma_wait3A_48 : memref<32x256xf32, #tpu.memory_space<hbm>>) dst(%arg7 : memref<32x256xf32, #tpu.memory_space<vmem>>)
    %add3A_49 = arith.constant 32 : i32
    %add3A_50 = arith.addi %mul3A_2, %add3A_49 : i32
    %dma_start3A_51 = arith.constant 0 : i32
    %dma_start3A_52 = tpu.memref_slice %arg4[%add3A_50, %dma_start3A_51] : memref<262144x256xf32, #tpu.memory_space<hbm>> -> memref<32x256xf32, #tpu.memory_space<hbm>>
    %dma_start3A_53 = arith.constant 0 : i32
    %dma_start3A_54 = tpu.memref_slice %arg4[%add3A_50, %dma_start3A_53] : memref<262144x256xf32, #tpu.memory_space<hbm>> -> memref<32x256xf32, #tpu.memory_space<hbm>>
    tpu.enqueue_dma source(%arg7 : memref<32x256xf32, #tpu.memory_space<vmem>>) target(%dma_start3A_54 : memref<32x256xf32, #tpu.memory_space<hbm>>) target_semaphore(%arg23 : memref<!tpu.dma_semaphore, #tpu.memory_space<semaphore_mem>>)
    %dma_start3A_55 = arith.constant 192 : i32
    %dma_start3A_56 = tpu.memref_slice %arg5[%dma_start3A_55] : memref<8192xi32, #tpu.memory_space<vmem>> -> memref<32xi32, #tpu.memory_space<vmem>>
    %dma_start3A_57 = arith.constant 0 : i32
    %dma_start3A_58 = arith.constant 0 : i32
    %dma_start3A_59 = tpu.memref_slice %arg2[%dma_start3A_57, %dma_start3A_58] : memref<8192x256xf32, #tpu.memory_space<hbm>> -> memref<8192x256xf32, #tpu.memory_space<hbm>>
    tpu.enqueue_indirect_dma source(%dma_start3A_59 : memref<8192x256xf32, #tpu.memory_space<hbm>>) target(%arg12 : memref<32x256xf32, #tpu.memory_space<vmem>>) offsets(%dma_start3A_56 : memref<32xi32, #tpu.memory_space<vmem>>) semaphore(%arg20 : memref<!tpu.dma_semaphore, #tpu.memory_space<semaphore_mem>>)
    %dma_wait3A_60 = arith.constant 0 : i32
    %dma_wait3A_61 = arith.constant 0 : i32
    %dma_wait3A_62 = tpu.memref_slice %arg2[%dma_wait3A_60, %dma_wait3A_61] : memref<8192x256xf32, #tpu.memory_space<hbm>> -> memref<32x256xf32, #tpu.memory_space<hbm>>
    %dma_wait3A_63 = arith.constant 0 : i32
    %dma_wait3A_64 = arith.constant 0 : i32
    %dma_wait3A_65 = tpu.memref_slice %arg2[%dma_wait3A_63, %dma_wait3A_64] : memref<8192x256xf32, #tpu.memory_space<hbm>> -> memref<32x256xf32, #tpu.memory_space<hbm>>
    tpu.wait_dma2 semaphore(%arg16 : memref<!tpu.dma_semaphore, #tpu.memory_space<semaphore_mem>>) src(%dma_wait3A_65 : memref<32x256xf32, #tpu.memory_space<hbm>>) dst(%arg8 : memref<32x256xf32, #tpu.memory_space<vmem>>)
    %add3A_66 = arith.constant 64 : i32
    %add3A_67 = arith.addi %mul3A_2, %add3A_66 : i32
    %dma_start3A_68 = arith.constant 0 : i32
    %dma_start3A_69 = tpu.memref_slice %arg4[%add3A_67, %dma_start3A_68] : memref<262144x256xf32, #tpu.memory_space<hbm>> -> memref<32x256xf32, #tpu.memory_space<hbm>>
    %dma_start3A_70 = arith.constant 0 : i32
    %dma_start3A_71 = tpu.memref_slice %arg4[%add3A_67, %dma_start3A_70] : memref<262144x256xf32, #tpu.memory_space<hbm>> -> memref<32x256xf32, #tpu.memory_space<hbm>>
    tpu.enqueue_dma source(%arg8 : memref<32x256xf32, #tpu.memory_space<vmem>>) target(%dma_start3A_71 : memref<32x256xf32, #tpu.memory_space<hbm>>) target_semaphore(%arg24 : memref<!tpu.dma_semaphore, #tpu.memory_space<semaphore_mem>>)
    %dma_start3A_72 = arith.constant 224 : i32
    %dma_start3A_73 = tpu.memref_slice %arg5[%dma_start3A_72] : memref<8192xi32, #tpu.memory_space<vmem>> -> memref<32xi32, #tpu.memory_space<vmem>>
    %dma_start3A_74 = arith.constant 0 : i32
    %dma_start3A_75 = arith.constant 0 : i32
    %dma_start3A_76 = tpu.memref_slice %arg2[%dma_start3A_74, %dma_start3A_75] : memref<8192x256xf32, #tpu.memory_space<hbm>> -> memref<8192x256xf32, #tpu.memory_space<hbm>>
    tpu.enqueue_indirect_dma source(%dma_start3A_76 : memref<8192x256xf32, #tpu.memory_space<hbm>>) target(%arg13 : memref<32x256xf32, #tpu.memory_space<vmem>>) offsets(%dma_start3A_73 : memref<32xi32, #tpu.memory_space<vmem>>) semaphore(%arg21 : memref<!tpu.dma_semaphore, #tpu.memory_space<semaphore_mem>>)
    %dma_wait3A_77 = arith.constant 0 : i32
    %dma_wait3A_78 = arith.constant 0 : i32
    %dma_wait3A_79 = tpu.memref_slice %arg2[%dma_wait3A_77, %dma_wait3A_78] : memref<8192x256xf32, #tpu.memory_space<hbm>> -> memref<32x256xf32, #tpu.memory_space<hbm>>
    %dma_wait3A_80 = arith.constant 0 : i32
    %dma_wait3A_81 = arith.constant 0 : i32
    %dma_wait3A_82 = tpu.memref_slice %arg2[%dma_wait3A_80, %dma_wait3A_81] : memref<8192x256xf32, #tpu.memory_space<hbm>> -> memref<32x256xf32, #tpu.memory_space<hbm>>
    tpu.wait_dma2 semaphore(%arg17 : memref<!tpu.dma_semaphore, #tpu.memory_space<semaphore_mem>>) src(%dma_wait3A_82 : memref<32x256xf32, #tpu.memory_space<hbm>>) dst(%arg9 : memref<32x256xf32, #tpu.memory_space<vmem>>)
    %add3A_83 = arith.constant 96 : i32
    %add3A_84 = arith.addi %mul3A_2, %add3A_83 : i32
    %dma_start3A_85 = arith.constant 0 : i32
    %dma_start3A_86 = tpu.memref_slice %arg4[%add3A_84, %dma_start3A_85] : memref<262144x256xf32, #tpu.memory_space<hbm>> -> memref<32x256xf32, #tpu.memory_space<hbm>>
    %dma_start3A_87 = arith.constant 0 : i32
    %dma_start3A_88 = tpu.memref_slice %arg4[%add3A_84, %dma_start3A_87] : memref<262144x256xf32, #tpu.memory_space<hbm>> -> memref<32x256xf32, #tpu.memory_space<hbm>>
    tpu.enqueue_dma source(%arg9 : memref<32x256xf32, #tpu.memory_space<vmem>>) target(%dma_start3A_88 : memref<32x256xf32, #tpu.memory_space<hbm>>) target_semaphore(%arg25 : memref<!tpu.dma_semaphore, #tpu.memory_space<semaphore_mem>>)
    %scan3A = arith.constant 0 : i32
    %scan3A_89 = arith.constant 0 : i32
    %scan3A_90 = arith.constant 31 : i32
    %scan3A_91 = arith.addi %scan3A_89, %scan3A_90 : i32
    %scan3A_92 = arith.constant 1 : i32
    scf.for %scan3A_174 = %scan3A_89 to %scan3A_91 step %scan3A_92  : i32 {
      %mul3A_175 = arith.constant 8 : i32
      %mul3A_176 = arith.muli %scan3A_174, %mul3A_175 : i32
      %add3A_177 = arith.constant 4 : i32
      %add3A_178 = arith.addi %mul3A_176, %add3A_177 : i32
      %add3A_179 = arith.constant 0 : i32
      %add3A_180 = arith.addi %add3A_178, %add3A_179 : i32
      %dma_wait3A_181 = arith.constant 0 : i32
      %dma_wait3A_182 = tpu.memref_slice %arg4[%mul3A_2, %dma_wait3A_181] : memref<262144x256xf32, #tpu.memory_space<hbm>> -> memref<32x256xf32, #tpu.memory_space<hbm>>
      %dma_wait3A_183 = arith.constant 0 : i32
      %dma_wait3A_184 = tpu.memref_slice %arg4[%mul3A_2, %dma_wait3A_183] : memref<262144x256xf32, #tpu.memory_space<hbm>> -> memref<32x256xf32, #tpu.memory_space<hbm>>
      tpu.wait_dma2 semaphore(%arg22 : memref<!tpu.dma_semaphore, #tpu.memory_space<semaphore_mem>>) src(%arg6 : memref<32x256xf32, #tpu.memory_space<vmem>>) dst(%dma_wait3A_184 : memref<32x256xf32, #tpu.memory_space<hbm>>)
      %add3A_185 = arith.constant 4 : i32
      %add3A_186 = arith.addi %add3A_180, %add3A_185 : i32
      %mul3A_187 = arith.constant 32 : i32
      %mul3A_188 = arith.muli %add3A_186, %mul3A_187 : i32
      %dma_start3A_189 = tpu.memref_slice %arg5[%mul3A_188] : memref<8192xi32, #tpu.memory_space<vmem>> -> memref<32xi32, #tpu.memory_space<vmem>>
      %dma_start3A_190 = arith.constant 0 : i32
      %dma_start3A_191 = arith.constant 0 : i32
      %dma_start3A_192 = tpu.memref_slice %arg2[%dma_start3A_190, %dma_start3A_191] : memref<8192x256xf32, #tpu.memory_space<hbm>> -> memref<8192x256xf32, #tpu.memory_space<hbm>>
      tpu.enqueue_indirect_dma source(%dma_start3A_192 : memref<8192x256xf32, #tpu.memory_space<hbm>>) target(%arg6 : memref<32x256xf32, #tpu.memory_space<vmem>>) offsets(%dma_start3A_189 : memref<32xi32, #tpu.memory_space<vmem>>) semaphore(%arg14 : memref<!tpu.dma_semaphore, #tpu.memory_space<semaphore_mem>>)
      %dma_wait3A_193 = arith.constant 0 : i32
      %dma_wait3A_194 = arith.constant 0 : i32
      %dma_wait3A_195 = tpu.memref_slice %arg2[%dma_wait3A_193, %dma_wait3A_194] : memref<8192x256xf32, #tpu.memory_space<hbm>> -> memref<32x256xf32, #tpu.memory_space<hbm>>
      %dma_wait3A_196 = arith.constant 0 : i32
      %dma_wait3A_197 = arith.constant 0 : i32
      %dma_wait3A_198 = tpu.memref_slice %arg2[%dma_wait3A_196, %dma_wait3A_197] : memref<8192x256xf32, #tpu.memory_space<hbm>> -> memref<32x256xf32, #tpu.memory_space<hbm>>
      tpu.wait_dma2 semaphore(%arg18 : memref<!tpu.dma_semaphore, #tpu.memory_space<semaphore_mem>>) src(%dma_wait3A_198 : memref<32x256xf32, #tpu.memory_space<hbm>>) dst(%arg10 : memref<32x256xf32, #tpu.memory_space<vmem>>)
      %mul3A_199 = arith.constant 32 : i32
      %mul3A_200 = arith.muli %add3A_180, %mul3A_199 : i32
      %add3A_201 = arith.addi %mul3A_2, %mul3A_200 : i32
      %dma_start3A_202 = arith.constant 0 : i32
      %dma_start3A_203 = tpu.memref_slice %arg4[%add3A_201, %dma_start3A_202] : memref<262144x256xf32, #tpu.memory_space<hbm>> -> memref<32x256xf32, #tpu.memory_space<hbm>>
      %dma_start3A_204 = arith.constant 0 : i32
      %dma_start3A_205 = tpu.memref_slice %arg4[%add3A_201, %dma_start3A_204] : memref<262144x256xf32, #tpu.memory_space<hbm>> -> memref<32x256xf32, #tpu.memory_space<hbm>>
      tpu.enqueue_dma source(%arg10 : memref<32x256xf32, #tpu.memory_space<vmem>>) target(%dma_start3A_205 : memref<32x256xf32, #tpu.memory_space<hbm>>) target_semaphore(%arg26 : memref<!tpu.dma_semaphore, #tpu.memory_space<semaphore_mem>>)
      %mul3A_206 = arith.constant 8 : i32
      %mul3A_207 = arith.muli %scan3A_174, %mul3A_206 : i32
      %add3A_208 = arith.constant 4 : i32
      %add3A_209 = arith.addi %mul3A_207, %add3A_208 : i32
      %add3A_210 = arith.constant 1 : i32
      %add3A_211 = arith.addi %add3A_209, %add3A_210 : i32
      %dma_wait3A_212 = arith.constant 0 : i32
      %dma_wait3A_213 = tpu.memref_slice %arg4[%mul3A_2, %dma_wait3A_212] : memref<262144x256xf32, #tpu.memory_space<hbm>> -> memref<32x256xf32, #tpu.memory_space<hbm>>
      %dma_wait3A_214 = arith.constant 0 : i32
      %dma_wait3A_215 = tpu.memref_slice %arg4[%mul3A_2, %dma_wait3A_214] : memref<262144x256xf32, #tpu.memory_space<hbm>> -> memref<32x256xf32, #tpu.memory_space<hbm>>
      tpu.wait_dma2 semaphore(%arg23 : memref<!tpu.dma_semaphore, #tpu.memory_space<semaphore_mem>>) src(%arg7 : memref<32x256xf32, #tpu.memory_space<vmem>>) dst(%dma_wait3A_215 : memref<32x256xf32, #tpu.memory_space<hbm>>)
      %add3A_216 = arith.constant 4 : i32
      %add3A_217 = arith.addi %add3A_211, %add3A_216 : i32
      %mul3A_218 = arith.constant 32 : i32
      %mul3A_219 = arith.muli %add3A_217, %mul3A_218 : i32
      %dma_start3A_220 = tpu.memref_slice %arg5[%mul3A_219] : memref<8192xi32, #tpu.memory_space<vmem>> -> memref<32xi32, #tpu.memory_space<vmem>>
      %dma_start3A_221 = arith.constant 0 : i32
      %dma_start3A_222 = arith.constant 0 : i32
      %dma_start3A_223 = tpu.memref_slice %arg2[%dma_start3A_221, %dma_start3A_222] : memref<8192x256xf32, #tpu.memory_space<hbm>> -> memref<8192x256xf32, #tpu.memory_space<hbm>>
      tpu.enqueue_indirect_dma source(%dma_start3A_223 : memref<8192x256xf32, #tpu.memory_space<hbm>>) target(%arg7 : memref<32x256xf32, #tpu.memory_space<vmem>>) offsets(%dma_start3A_220 : memref<32xi32, #tpu.memory_space<vmem>>) semaphore(%arg15 : memref<!tpu.dma_semaphore, #tpu.memory_space<semaphore_mem>>)
      %dma_wait3A_224 = arith.constant 0 : i32
      %dma_wait3A_225 = arith.constant 0 : i32
      %dma_wait3A_226 = tpu.memref_slice %arg2[%dma_wait3A_224, %dma_wait3A_225] : memref<8192x256xf32, #tpu.memory_space<hbm>> -> memref<32x256xf32, #tpu.memory_space<hbm>>
      %dma_wait3A_227 = arith.constant 0 : i32
      %dma_wait3A_228 = arith.constant 0 : i32
      %dma_wait3A_229 = tpu.memref_slice %arg2[%dma_wait3A_227, %dma_wait3A_228] : memref<8192x256xf32, #tpu.memory_space<hbm>> -> memref<32x256xf32, #tpu.memory_space<hbm>>
      tpu.wait_dma2 semaphore(%arg19 : memref<!tpu.dma_semaphore, #tpu.memory_space<semaphore_mem>>) src(%dma_wait3A_229 : memref<32x256xf32, #tpu.memory_space<hbm>>) dst(%arg11 : memref<32x256xf32, #tpu.memory_space<vmem>>)
      %mul3A_230 = arith.constant 32 : i32
      %mul3A_231 = arith.muli %add3A_211, %mul3A_230 : i32
      %add3A_232 = arith.addi %mul3A_2, %mul3A_231 : i32
      %dma_start3A_233 = arith.constant 0 : i32
      %dma_start3A_234 = tpu.memref_slice %arg4[%add3A_232, %dma_start3A_233] : memref<262144x256xf32, #tpu.memory_space<hbm>> -> memref<32x256xf32, #tpu.memory_space<hbm>>
      %dma_start3A_235 = arith.constant 0 : i32
      %dma_start3A_236 = tpu.memref_slice %arg4[%add3A_232, %dma_start3A_235] : memref<262144x256xf32, #tpu.memory_space<hbm>> -> memref<32x256xf32, #tpu.memory_space<hbm>>
      tpu.enqueue_dma source(%arg11 : memref<32x256xf32, #tpu.memory_space<vmem>>) target(%dma_start3A_236 : memref<32x256xf32, #tpu.memory_space<hbm>>) target_semaphore(%arg27 : memref<!tpu.dma_semaphore, #tpu.memory_space<semaphore_mem>>)
      %mul3A_237 = arith.constant 8 : i32
      %mul3A_238 = arith.muli %scan3A_174, %mul3A_237 : i32
      %add3A_239 = arith.constant 4 : i32
      %add3A_240 = arith.addi %mul3A_238, %add3A_239 : i32
      %add3A_241 = arith.constant 2 : i32
      %add3A_242 = arith.addi %add3A_240, %add3A_241 : i32
      %dma_wait3A_243 = arith.constant 0 : i32
      %dma_wait3A_244 = tpu.memref_slice %arg4[%mul3A_2, %dma_wait3A_243] : memref<262144x256xf32, #tpu.memory_space<hbm>> -> memref<32x256xf32, #tpu.memory_space<hbm>>
      %dma_wait3A_245 = arith.constant 0 : i32
      %dma_wait3A_246 = tpu.memref_slice %arg4[%mul3A_2, %dma_wait3A_245] : memref<262144x256xf32, #tpu.memory_space<hbm>> -> memref<32x256xf32, #tpu.memory_space<hbm>>
      tpu.wait_dma2 semaphore(%arg24 : memref<!tpu.dma_semaphore, #tpu.memory_space<semaphore_mem>>) src(%arg8 : memref<32x256xf32, #tpu.memory_space<vmem>>) dst(%dma_wait3A_246 : memref<32x256xf32, #tpu.memory_space<hbm>>)
      %add3A_247 = arith.constant 4 : i32
      %add3A_248 = arith.addi %add3A_242, %add3A_247 : i32
      %mul3A_249 = arith.constant 32 : i32
      %mul3A_250 = arith.muli %add3A_248, %mul3A_249 : i32
      %dma_start3A_251 = tpu.memref_slice %arg5[%mul3A_250] : memref<8192xi32, #tpu.memory_space<vmem>> -> memref<32xi32, #tpu.memory_space<vmem>>
      %dma_start3A_252 = arith.constant 0 : i32
      %dma_start3A_253 = arith.constant 0 : i32
      %dma_start3A_254 = tpu.memref_slice %arg2[%dma_start3A_252, %dma_start3A_253] : memref<8192x256xf32, #tpu.memory_space<hbm>> -> memref<8192x256xf32, #tpu.memory_space<hbm>>
      tpu.enqueue_indirect_dma source(%dma_start3A_254 : memref<8192x256xf32, #tpu.memory_space<hbm>>) target(%arg8 : memref<32x256xf32, #tpu.memory_space<vmem>>) offsets(%dma_start3A_251 : memref<32xi32, #tpu.memory_space<vmem>>) semaphore(%arg16 : memref<!tpu.dma_semaphore, #tpu.memory_space<semaphore_mem>>)
      %dma_wait3A_255 = arith.constant 0 : i32
      %dma_wait3A_256 = arith.constant 0 : i32
      %dma_wait3A_257 = tpu.memref_slice %arg2[%dma_wait3A_255, %dma_wait3A_256] : memref<8192x256xf32, #tpu.memory_space<hbm>> -> memref<32x256xf32, #tpu.memory_space<hbm>>
      %dma_wait3A_258 = arith.constant 0 : i32
      %dma_wait3A_259 = arith.constant 0 : i32
      %dma_wait3A_260 = tpu.memref_slice %arg2[%dma_wait3A_258, %dma_wait3A_259] : memref<8192x256xf32, #tpu.memory_space<hbm>> -> memref<32x256xf32, #tpu.memory_space<hbm>>
      tpu.wait_dma2 semaphore(%arg20 : memref<!tpu.dma_semaphore, #tpu.memory_space<semaphore_mem>>) src(%dma_wait3A_260 : memref<32x256xf32, #tpu.memory_space<hbm>>) dst(%arg12 : memref<32x256xf32, #tpu.memory_space<vmem>>)
      %mul3A_261 = arith.constant 32 : i32
      %mul3A_262 = arith.muli %add3A_242, %mul3A_261 : i32
      %add3A_263 = arith.addi %mul3A_2, %mul3A_262 : i32
      %dma_start3A_264 = arith.constant 0 : i32
      %dma_start3A_265 = tpu.memref_slice %arg4[%add3A_263, %dma_start3A_264] : memref<262144x256xf32, #tpu.memory_space<hbm>> -> memref<32x256xf32, #tpu.memory_space<hbm>>
      %dma_start3A_266 = arith.constant 0 : i32
      %dma_start3A_267 = tpu.memref_slice %arg4[%add3A_263, %dma_start3A_266] : memref<262144x256xf32, #tpu.memory_space<hbm>> -> memref<32x256xf32, #tpu.memory_space<hbm>>
      tpu.enqueue_dma source(%arg12 : memref<32x256xf32, #tpu.memory_space<vmem>>) target(%dma_start3A_267 : memref<32x256xf32, #tpu.memory_space<hbm>>) target_semaphore(%arg28 : memref<!tpu.dma_semaphore, #tpu.memory_space<semaphore_mem>>)
      %mul3A_268 = arith.constant 8 : i32
      %mul3A_269 = arith.muli %scan3A_174, %mul3A_268 : i32
      %add3A_270 = arith.constant 4 : i32
      %add3A_271 = arith.addi %mul3A_269, %add3A_270 : i32
      %add3A_272 = arith.constant 3 : i32
      %add3A_273 = arith.addi %add3A_271, %add3A_272 : i32
      %dma_wait3A_274 = arith.constant 0 : i32
      %dma_wait3A_275 = tpu.memref_slice %arg4[%mul3A_2, %dma_wait3A_274] : memref<262144x256xf32, #tpu.memory_space<hbm>> -> memref<32x256xf32, #tpu.memory_space<hbm>>
      %dma_wait3A_276 = arith.constant 0 : i32
      %dma_wait3A_277 = tpu.memref_slice %arg4[%mul3A_2, %dma_wait3A_276] : memref<262144x256xf32, #tpu.memory_space<hbm>> -> memref<32x256xf32, #tpu.memory_space<hbm>>
      tpu.wait_dma2 semaphore(%arg25 : memref<!tpu.dma_semaphore, #tpu.memory_space<semaphore_mem>>) src(%arg9 : memref<32x256xf32, #tpu.memory_space<vmem>>) dst(%dma_wait3A_277 : memref<32x256xf32, #tpu.memory_space<hbm>>)
      %add3A_278 = arith.constant 4 : i32
      %add3A_279 = arith.addi %add3A_273, %add3A_278 : i32
      %mul3A_280 = arith.constant 32 : i32
      %mul3A_281 = arith.muli %add3A_279, %mul3A_280 : i32
      %dma_start3A_282 = tpu.memref_slice %arg5[%mul3A_281] : memref<8192xi32, #tpu.memory_space<vmem>> -> memref<32xi32, #tpu.memory_space<vmem>>
      %dma_start3A_283 = arith.constant 0 : i32
      %dma_start3A_284 = arith.constant 0 : i32
      %dma_start3A_285 = tpu.memref_slice %arg2[%dma_start3A_283, %dma_start3A_284] : memref<8192x256xf32, #tpu.memory_space<hbm>> -> memref<8192x256xf32, #tpu.memory_space<hbm>>
      tpu.enqueue_indirect_dma source(%dma_start3A_285 : memref<8192x256xf32, #tpu.memory_space<hbm>>) target(%arg9 : memref<32x256xf32, #tpu.memory_space<vmem>>) offsets(%dma_start3A_282 : memref<32xi32, #tpu.memory_space<vmem>>) semaphore(%arg17 : memref<!tpu.dma_semaphore, #tpu.memory_space<semaphore_mem>>)
      %dma_wait3A_286 = arith.constant 0 : i32
      %dma_wait3A_287 = arith.constant 0 : i32
      %dma_wait3A_288 = tpu.memref_slice %arg2[%dma_wait3A_286, %dma_wait3A_287] : memref<8192x256xf32, #tpu.memory_space<hbm>> -> memref<32x256xf32, #tpu.memory_space<hbm>>
      %dma_wait3A_289 = arith.constant 0 : i32
      %dma_wait3A_290 = arith.constant 0 : i32
      %dma_wait3A_291 = tpu.memref_slice %arg2[%dma_wait3A_289, %dma_wait3A_290] : memref<8192x256xf32, #tpu.memory_space<hbm>> -> memref<32x256xf32, #tpu.memory_space<hbm>>
      tpu.wait_dma2 semaphore(%arg21 : memref<!tpu.dma_semaphore, #tpu.memory_space<semaphore_mem>>) src(%dma_wait3A_291 : memref<32x256xf32, #tpu.memory_space<hbm>>) dst(%arg13 : memref<32x256xf32, #tpu.memory_space<vmem>>)
      %mul3A_292 = arith.constant 32 : i32
      %mul3A_293 = arith.muli %add3A_273, %mul3A_292 : i32
      %add3A_294 = arith.addi %mul3A_2, %mul3A_293 : i32
      %dma_start3A_295 = arith.constant 0 : i32
      %dma_start3A_296 = tpu.memref_slice %arg4[%add3A_294, %dma_start3A_295] : memref<262144x256xf32, #tpu.memory_space<hbm>> -> memref<32x256xf32, #tpu.memory_space<hbm>>
      %dma_start3A_297 = arith.constant 0 : i32
      %dma_start3A_298 = tpu.memref_slice %arg4[%add3A_294, %dma_start3A_297] : memref<262144x256xf32, #tpu.memory_space<hbm>> -> memref<32x256xf32, #tpu.memory_space<hbm>>
      tpu.enqueue_dma source(%arg13 : memref<32x256xf32, #tpu.memory_space<vmem>>) target(%dma_start3A_298 : memref<32x256xf32, #tpu.memory_space<hbm>>) target_semaphore(%arg29 : memref<!tpu.dma_semaphore, #tpu.memory_space<semaphore_mem>>)
      %mul3A_299 = arith.constant 8 : i32
      %mul3A_300 = arith.muli %scan3A_174, %mul3A_299 : i32
      %add3A_301 = arith.constant 4 : i32
      %add3A_302 = arith.addi %mul3A_300, %add3A_301 : i32
      %add3A_303 = arith.constant 4 : i32
      %add3A_304 = arith.addi %add3A_302, %add3A_303 : i32
      %dma_wait3A_305 = arith.constant 0 : i32
      %dma_wait3A_306 = tpu.memref_slice %arg4[%mul3A_2, %dma_wait3A_305] : memref<262144x256xf32, #tpu.memory_space<hbm>> -> memref<32x256xf32, #tpu.memory_space<hbm>>
      %dma_wait3A_307 = arith.constant 0 : i32
      %dma_wait3A_308 = tpu.memref_slice %arg4[%mul3A_2, %dma_wait3A_307] : memref<262144x256xf32, #tpu.memory_space<hbm>> -> memref<32x256xf32, #tpu.memory_space<hbm>>
      tpu.wait_dma2 semaphore(%arg26 : memref<!tpu.dma_semaphore, #tpu.memory_space<semaphore_mem>>) src(%arg10 : memref<32x256xf32, #tpu.memory_space<vmem>>) dst(%dma_wait3A_308 : memref<32x256xf32, #tpu.memory_space<hbm>>)
      %add3A_309 = arith.constant 4 : i32
      %add3A_310 = arith.addi %add3A_304, %add3A_309 : i32
      %mul3A_311 = arith.constant 32 : i32
      %mul3A_312 = arith.muli %add3A_310, %mul3A_311 : i32
      %dma_start3A_313 = tpu.memref_slice %arg5[%mul3A_312] : memref<8192xi32, #tpu.memory_space<vmem>> -> memref<32xi32, #tpu.memory_space<vmem>>
      %dma_start3A_314 = arith.constant 0 : i32
      %dma_start3A_315 = arith.constant 0 : i32
      %dma_start3A_316 = tpu.memref_slice %arg2[%dma_start3A_314, %dma_start3A_315] : memref<8192x256xf32, #tpu.memory_space<hbm>> -> memref<8192x256xf32, #tpu.memory_space<hbm>>
      tpu.enqueue_indirect_dma source(%dma_start3A_316 : memref<8192x256xf32, #tpu.memory_space<hbm>>) target(%arg10 : memref<32x256xf32, #tpu.memory_space<vmem>>) offsets(%dma_start3A_313 : memref<32xi32, #tpu.memory_space<vmem>>) semaphore(%arg18 : memref<!tpu.dma_semaphore, #tpu.memory_space<semaphore_mem>>)
      %dma_wait3A_317 = arith.constant 0 : i32
      %dma_wait3A_318 = arith.constant 0 : i32
      %dma_wait3A_319 = tpu.memref_slice %arg2[%dma_wait3A_317, %dma_wait3A_318] : memref<8192x256xf32, #tpu.memory_space<hbm>> -> memref<32x256xf32, #tpu.memory_space<hbm>>
      %dma_wait3A_320 = arith.constant 0 : i32
      %dma_wait3A_321 = arith.constant 0 : i32
      %dma_wait3A_322 = tpu.memref_slice %arg2[%dma_wait3A_320, %dma_wait3A_321] : memref<8192x256xf32, #tpu.memory_space<hbm>> -> memref<32x256xf32, #tpu.memory_space<hbm>>
      tpu.wait_dma2 semaphore(%arg14 : memref<!tpu.dma_semaphore, #tpu.memory_space<semaphore_mem>>) src(%dma_wait3A_322 : memref<32x256xf32, #tpu.memory_space<hbm>>) dst(%arg6 : memref<32x256xf32, #tpu.memory_space<vmem>>)
      %mul3A_323 = arith.constant 32 : i32
      %mul3A_324 = arith.muli %add3A_304, %mul3A_323 : i32
      %add3A_325 = arith.addi %mul3A_2, %mul3A_324 : i32
      %dma_start3A_326 = arith.constant 0 : i32
      %dma_start3A_327 = tpu.memref_slice %arg4[%add3A_325, %dma_start3A_326] : memref<262144x256xf32, #tpu.memory_space<hbm>> -> memref<32x256xf32, #tpu.memory_space<hbm>>
      %dma_start3A_328 = arith.constant 0 : i32
      %dma_start3A_329 = tpu.memref_slice %arg4[%add3A_325, %dma_start3A_328] : memref<262144x256xf32, #tpu.memory_space<hbm>> -> memref<32x256xf32, #tpu.memory_space<hbm>>
      tpu.enqueue_dma source(%arg6 : memref<32x256xf32, #tpu.memory_space<vmem>>) target(%dma_start3A_329 : memref<32x256xf32, #tpu.memory_space<hbm>>) target_semaphore(%arg22 : memref<!tpu.dma_semaphore, #tpu.memory_space<semaphore_mem>>)
      %mul3A_330 = arith.constant 8 : i32
      %mul3A_331 = arith.muli %scan3A_174, %mul3A_330 : i32
      %add3A_332 = arith.constant 4 : i32
      %add3A_333 = arith.addi %mul3A_331, %add3A_332 : i32
      %add3A_334 = arith.constant 5 : i32
      %add3A_335 = arith.addi %add3A_333, %add3A_334 : i32
      %dma_wait3A_336 = arith.constant 0 : i32
      %dma_wait3A_337 = tpu.memref_slice %arg4[%mul3A_2, %dma_wait3A_336] : memref<262144x256xf32, #tpu.memory_space<hbm>> -> memref<32x256xf32, #tpu.memory_space<hbm>>
      %dma_wait3A_338 = arith.constant 0 : i32
      %dma_wait3A_339 = tpu.memref_slice %arg4[%mul3A_2, %dma_wait3A_338] : memref<262144x256xf32, #tpu.memory_space<hbm>> -> memref<32x256xf32, #tpu.memory_space<hbm>>
      tpu.wait_dma2 semaphore(%arg27 : memref<!tpu.dma_semaphore, #tpu.memory_space<semaphore_mem>>) src(%arg11 : memref<32x256xf32, #tpu.memory_space<vmem>>) dst(%dma_wait3A_339 : memref<32x256xf32, #tpu.memory_space<hbm>>)
      %add3A_340 = arith.constant 4 : i32
      %add3A_341 = arith.addi %add3A_335, %add3A_340 : i32
      %mul3A_342 = arith.constant 32 : i32
      %mul3A_343 = arith.muli %add3A_341, %mul3A_342 : i32
      %dma_start3A_344 = tpu.memref_slice %arg5[%mul3A_343] : memref<8192xi32, #tpu.memory_space<vmem>> -> memref<32xi32, #tpu.memory_space<vmem>>
      %dma_start3A_345 = arith.constant 0 : i32
      %dma_start3A_346 = arith.constant 0 : i32
      %dma_start3A_347 = tpu.memref_slice %arg2[%dma_start3A_345, %dma_start3A_346] : memref<8192x256xf32, #tpu.memory_space<hbm>> -> memref<8192x256xf32, #tpu.memory_space<hbm>>
      tpu.enqueue_indirect_dma source(%dma_start3A_347 : memref<8192x256xf32, #tpu.memory_space<hbm>>) target(%arg11 : memref<32x256xf32, #tpu.memory_space<vmem>>) offsets(%dma_start3A_344 : memref<32xi32, #tpu.memory_space<vmem>>) semaphore(%arg19 : memref<!tpu.dma_semaphore, #tpu.memory_space<semaphore_mem>>)
      %dma_wait3A_348 = arith.constant 0 : i32
      %dma_wait3A_349 = arith.constant 0 : i32
      %dma_wait3A_350 = tpu.memref_slice %arg2[%dma_wait3A_348, %dma_wait3A_349] : memref<8192x256xf32, #tpu.memory_space<hbm>> -> memref<32x256xf32, #tpu.memory_space<hbm>>
      %dma_wait3A_351 = arith.constant 0 : i32
      %dma_wait3A_352 = arith.constant 0 : i32
      %dma_wait3A_353 = tpu.memref_slice %arg2[%dma_wait3A_351, %dma_wait3A_352] : memref<8192x256xf32, #tpu.memory_space<hbm>> -> memref<32x256xf32, #tpu.memory_space<hbm>>
      tpu.wait_dma2 semaphore(%arg15 : memref<!tpu.dma_semaphore, #tpu.memory_space<semaphore_mem>>) src(%dma_wait3A_353 : memref<32x256xf32, #tpu.memory_space<hbm>>) dst(%arg7 : memref<32x256xf32, #tpu.memory_space<vmem>>)
      %mul3A_354 = arith.constant 32 : i32
      %mul3A_355 = arith.muli %add3A_335, %mul3A_354 : i32
      %add3A_356 = arith.addi %mul3A_2, %mul3A_355 : i32
      %dma_start3A_357 = arith.constant 0 : i32
      %dma_start3A_358 = tpu.memref_slice %arg4[%add3A_356, %dma_start3A_357] : memref<262144x256xf32, #tpu.memory_space<hbm>> -> memref<32x256xf32, #tpu.memory_space<hbm>>
      %dma_start3A_359 = arith.constant 0 : i32
      %dma_start3A_360 = tpu.memref_slice %arg4[%add3A_356, %dma_start3A_359] : memref<262144x256xf32, #tpu.memory_space<hbm>> -> memref<32x256xf32, #tpu.memory_space<hbm>>
      tpu.enqueue_dma source(%arg7 : memref<32x256xf32, #tpu.memory_space<vmem>>) target(%dma_start3A_360 : memref<32x256xf32, #tpu.memory_space<hbm>>) target_semaphore(%arg23 : memref<!tpu.dma_semaphore, #tpu.memory_space<semaphore_mem>>)
      %mul3A_361 = arith.constant 8 : i32
      %mul3A_362 = arith.muli %scan3A_174, %mul3A_361 : i32
      %add3A_363 = arith.constant 4 : i32
      %add3A_364 = arith.addi %mul3A_362, %add3A_363 : i32
      %add3A_365 = arith.constant 6 : i32
      %add3A_366 = arith.addi %add3A_364, %add3A_365 : i32
      %dma_wait3A_367 = arith.constant 0 : i32
      %dma_wait3A_368 = tpu.memref_slice %arg4[%mul3A_2, %dma_wait3A_367] : memref<262144x256xf32, #tpu.memory_space<hbm>> -> memref<32x256xf32, #tpu.memory_space<hbm>>
      %dma_wait3A_369 = arith.constant 0 : i32
      %dma_wait3A_370 = tpu.memref_slice %arg4[%mul3A_2, %dma_wait3A_369] : memref<262144x256xf32, #tpu.memory_space<hbm>> -> memref<32x256xf32, #tpu.memory_space<hbm>>
      tpu.wait_dma2 semaphore(%arg28 : memref<!tpu.dma_semaphore, #tpu.memory_space<semaphore_mem>>) src(%arg12 : memref<32x256xf32, #tpu.memory_space<vmem>>) dst(%dma_wait3A_370 : memref<32x256xf32, #tpu.memory_space<hbm>>)
      %add3A_371 = arith.constant 4 : i32
      %add3A_372 = arith.addi %add3A_366, %add3A_371 : i32
      %mul3A_373 = arith.constant 32 : i32
      %mul3A_374 = arith.muli %add3A_372, %mul3A_373 : i32
      %dma_start3A_375 = tpu.memref_slice %arg5[%mul3A_374] : memref<8192xi32, #tpu.memory_space<vmem>> -> memref<32xi32, #tpu.memory_space<vmem>>
      %dma_start3A_376 = arith.constant 0 : i32
      %dma_start3A_377 = arith.constant 0 : i32
      %dma_start3A_378 = tpu.memref_slice %arg2[%dma_start3A_376, %dma_start3A_377] : memref<8192x256xf32, #tpu.memory_space<hbm>> -> memref<8192x256xf32, #tpu.memory_space<hbm>>
      tpu.enqueue_indirect_dma source(%dma_start3A_378 : memref<8192x256xf32, #tpu.memory_space<hbm>>) target(%arg12 : memref<32x256xf32, #tpu.memory_space<vmem>>) offsets(%dma_start3A_375 : memref<32xi32, #tpu.memory_space<vmem>>) semaphore(%arg20 : memref<!tpu.dma_semaphore, #tpu.memory_space<semaphore_mem>>)
      %dma_wait3A_379 = arith.constant 0 : i32
      %dma_wait3A_380 = arith.constant 0 : i32
      %dma_wait3A_381 = tpu.memref_slice %arg2[%dma_wait3A_379, %dma_wait3A_380] : memref<8192x256xf32, #tpu.memory_space<hbm>> -> memref<32x256xf32, #tpu.memory_space<hbm>>
      %dma_wait3A_382 = arith.constant 0 : i32
      %dma_wait3A_383 = arith.constant 0 : i32
      %dma_wait3A_384 = tpu.memref_slice %arg2[%dma_wait3A_382, %dma_wait3A_383] : memref<8192x256xf32, #tpu.memory_space<hbm>> -> memref<32x256xf32, #tpu.memory_space<hbm>>
      tpu.wait_dma2 semaphore(%arg16 : memref<!tpu.dma_semaphore, #tpu.memory_space<semaphore_mem>>) src(%dma_wait3A_384 : memref<32x256xf32, #tpu.memory_space<hbm>>) dst(%arg8 : memref<32x256xf32, #tpu.memory_space<vmem>>)
      %mul3A_385 = arith.constant 32 : i32
      %mul3A_386 = arith.muli %add3A_366, %mul3A_385 : i32
      %add3A_387 = arith.addi %mul3A_2, %mul3A_386 : i32
      %dma_start3A_388 = arith.constant 0 : i32
      %dma_start3A_389 = tpu.memref_slice %arg4[%add3A_387, %dma_start3A_388] : memref<262144x256xf32, #tpu.memory_space<hbm>> -> memref<32x256xf32, #tpu.memory_space<hbm>>
      %dma_start3A_390 = arith.constant 0 : i32
      %dma_start3A_391 = tpu.memref_slice %arg4[%add3A_387, %dma_start3A_390] : memref<262144x256xf32, #tpu.memory_space<hbm>> -> memref<32x256xf32, #tpu.memory_space<hbm>>
      tpu.enqueue_dma source(%arg8 : memref<32x256xf32, #tpu.memory_space<vmem>>) target(%dma_start3A_391 : memref<32x256xf32, #tpu.memory_space<hbm>>) target_semaphore(%arg24 : memref<!tpu.dma_semaphore, #tpu.memory_space<semaphore_mem>>)
      %mul3A_392 = arith.constant 8 : i32
      %mul3A_393 = arith.muli %scan3A_174, %mul3A_392 : i32
      %add3A_394 = arith.constant 4 : i32
      %add3A_395 = arith.addi %mul3A_393, %add3A_394 : i32
      %add3A_396 = arith.constant 7 : i32
      %add3A_397 = arith.addi %add3A_395, %add3A_396 : i32
      %dma_wait3A_398 = arith.constant 0 : i32
      %dma_wait3A_399 = tpu.memref_slice %arg4[%mul3A_2, %dma_wait3A_398] : memref<262144x256xf32, #tpu.memory_space<hbm>> -> memref<32x256xf32, #tpu.memory_space<hbm>>
      %dma_wait3A_400 = arith.constant 0 : i32
      %dma_wait3A_401 = tpu.memref_slice %arg4[%mul3A_2, %dma_wait3A_400] : memref<262144x256xf32, #tpu.memory_space<hbm>> -> memref<32x256xf32, #tpu.memory_space<hbm>>
      tpu.wait_dma2 semaphore(%arg29 : memref<!tpu.dma_semaphore, #tpu.memory_space<semaphore_mem>>) src(%arg13 : memref<32x256xf32, #tpu.memory_space<vmem>>) dst(%dma_wait3A_401 : memref<32x256xf32, #tpu.memory_space<hbm>>)
      %add3A_402 = arith.constant 4 : i32
      %add3A_403 = arith.addi %add3A_397, %add3A_402 : i32
      %mul3A_404 = arith.constant 32 : i32
      %mul3A_405 = arith.muli %add3A_403, %mul3A_404 : i32
      %dma_start3A_406 = tpu.memref_slice %arg5[%mul3A_405] : memref<8192xi32, #tpu.memory_space<vmem>> -> memref<32xi32, #tpu.memory_space<vmem>>
      %dma_start3A_407 = arith.constant 0 : i32
      %dma_start3A_408 = arith.constant 0 : i32
      %dma_start3A_409 = tpu.memref_slice %arg2[%dma_start3A_407, %dma_start3A_408] : memref<8192x256xf32, #tpu.memory_space<hbm>> -> memref<8192x256xf32, #tpu.memory_space<hbm>>
      tpu.enqueue_indirect_dma source(%dma_start3A_409 : memref<8192x256xf32, #tpu.memory_space<hbm>>) target(%arg13 : memref<32x256xf32, #tpu.memory_space<vmem>>) offsets(%dma_start3A_406 : memref<32xi32, #tpu.memory_space<vmem>>) semaphore(%arg21 : memref<!tpu.dma_semaphore, #tpu.memory_space<semaphore_mem>>)
      %dma_wait3A_410 = arith.constant 0 : i32
      %dma_wait3A_411 = arith.constant 0 : i32
      %dma_wait3A_412 = tpu.memref_slice %arg2[%dma_wait3A_410, %dma_wait3A_411] : memref<8192x256xf32, #tpu.memory_space<hbm>> -> memref<32x256xf32, #tpu.memory_space<hbm>>
      %dma_wait3A_413 = arith.constant 0 : i32
      %dma_wait3A_414 = arith.constant 0 : i32
      %dma_wait3A_415 = tpu.memref_slice %arg2[%dma_wait3A_413, %dma_wait3A_414] : memref<8192x256xf32, #tpu.memory_space<hbm>> -> memref<32x256xf32, #tpu.memory_space<hbm>>
      tpu.wait_dma2 semaphore(%arg17 : memref<!tpu.dma_semaphore, #tpu.memory_space<semaphore_mem>>) src(%dma_wait3A_415 : memref<32x256xf32, #tpu.memory_space<hbm>>) dst(%arg9 : memref<32x256xf32, #tpu.memory_space<vmem>>)
      %mul3A_416 = arith.constant 32 : i32
      %mul3A_417 = arith.muli %add3A_397, %mul3A_416 : i32
      %add3A_418 = arith.addi %mul3A_2, %mul3A_417 : i32
      %dma_start3A_419 = arith.constant 0 : i32
      %dma_start3A_420 = tpu.memref_slice %arg4[%add3A_418, %dma_start3A_419] : memref<262144x256xf32, #tpu.memory_space<hbm>> -> memref<32x256xf32, #tpu.memory_space<hbm>>
      %dma_start3A_421 = arith.constant 0 : i32
      %dma_start3A_422 = tpu.memref_slice %arg4[%add3A_418, %dma_start3A_421] : memref<262144x256xf32, #tpu.memory_space<hbm>> -> memref<32x256xf32, #tpu.memory_space<hbm>>
      tpu.enqueue_dma source(%arg9 : memref<32x256xf32, #tpu.memory_space<vmem>>) target(%dma_start3A_422 : memref<32x256xf32, #tpu.memory_space<hbm>>) target_semaphore(%arg25 : memref<!tpu.dma_semaphore, #tpu.memory_space<semaphore_mem>>)
    }
    %scan3A_93 = arith.constant 31 : i32
    %dma_wait3A_94 = arith.constant 0 : i32
    %dma_wait3A_95 = tpu.memref_slice %arg4[%mul3A_2, %dma_wait3A_94] : memref<262144x256xf32, #tpu.memory_space<hbm>> -> memref<32x256xf32, #tpu.memory_space<hbm>>
    %dma_wait3A_96 = arith.constant 0 : i32
    %dma_wait3A_97 = tpu.memref_slice %arg4[%mul3A_2, %dma_wait3A_96] : memref<262144x256xf32, #tpu.memory_space<hbm>> -> memref<32x256xf32, #tpu.memory_space<hbm>>
    tpu.wait_dma2 semaphore(%arg22 : memref<!tpu.dma_semaphore, #tpu.memory_space<semaphore_mem>>) src(%arg6 : memref<32x256xf32, #tpu.memory_space<vmem>>) dst(%dma_wait3A_97 : memref<32x256xf32, #tpu.memory_space<hbm>>)
    %dma_wait3A_98 = arith.constant 0 : i32
    %dma_wait3A_99 = arith.constant 0 : i32
    %dma_wait3A_100 = tpu.memref_slice %arg2[%dma_wait3A_98, %dma_wait3A_99] : memref<8192x256xf32, #tpu.memory_space<hbm>> -> memref<32x256xf32, #tpu.memory_space<hbm>>
    %dma_wait3A_101 = arith.constant 0 : i32
    %dma_wait3A_102 = arith.constant 0 : i32
    %dma_wait3A_103 = tpu.memref_slice %arg2[%dma_wait3A_101, %dma_wait3A_102] : memref<8192x256xf32, #tpu.memory_space<hbm>> -> memref<32x256xf32, #tpu.memory_space<hbm>>
    tpu.wait_dma2 semaphore(%arg18 : memref<!tpu.dma_semaphore, #tpu.memory_space<semaphore_mem>>) src(%dma_wait3A_103 : memref<32x256xf32, #tpu.memory_space<hbm>>) dst(%arg10 : memref<32x256xf32, #tpu.memory_space<vmem>>)
    %add3A_104 = arith.constant 8064 : i32
    %add3A_105 = arith.addi %mul3A_2, %add3A_104 : i32
    %dma_start3A_106 = arith.constant 0 : i32
    %dma_start3A_107 = tpu.memref_slice %arg4[%add3A_105, %dma_start3A_106] : memref<262144x256xf32, #tpu.memory_space<hbm>> -> memref<32x256xf32, #tpu.memory_space<hbm>>
    %dma_start3A_108 = arith.constant 0 : i32
    %dma_start3A_109 = tpu.memref_slice %arg4[%add3A_105, %dma_start3A_108] : memref<262144x256xf32, #tpu.memory_space<hbm>> -> memref<32x256xf32, #tpu.memory_space<hbm>>
    tpu.enqueue_dma source(%arg10 : memref<32x256xf32, #tpu.memory_space<vmem>>) target(%dma_start3A_109 : memref<32x256xf32, #tpu.memory_space<hbm>>) target_semaphore(%arg26 : memref<!tpu.dma_semaphore, #tpu.memory_space<semaphore_mem>>)
    %dma_wait3A_110 = arith.constant 0 : i32
    %dma_wait3A_111 = tpu.memref_slice %arg4[%mul3A_2, %dma_wait3A_110] : memref<262144x256xf32, #tpu.memory_space<hbm>> -> memref<32x256xf32, #tpu.memory_space<hbm>>
    %dma_wait3A_112 = arith.constant 0 : i32
    %dma_wait3A_113 = tpu.memref_slice %arg4[%mul3A_2, %dma_wait3A_112] : memref<262144x256xf32, #tpu.memory_space<hbm>> -> memref<32x256xf32, #tpu.memory_space<hbm>>
    tpu.wait_dma2 semaphore(%arg23 : memref<!tpu.dma_semaphore, #tpu.memory_space<semaphore_mem>>) src(%arg7 : memref<32x256xf32, #tpu.memory_space<vmem>>) dst(%dma_wait3A_113 : memref<32x256xf32, #tpu.memory_space<hbm>>)
    %dma_wait3A_114 = arith.constant 0 : i32
    %dma_wait3A_115 = arith.constant 0 : i32
    %dma_wait3A_116 = tpu.memref_slice %arg2[%dma_wait3A_114, %dma_wait3A_115] : memref<8192x256xf32, #tpu.memory_space<hbm>> -> memref<32x256xf32, #tpu.memory_space<hbm>>
    %dma_wait3A_117 = arith.constant 0 : i32
    %dma_wait3A_118 = arith.constant 0 : i32
    %dma_wait3A_119 = tpu.memref_slice %arg2[%dma_wait3A_117, %dma_wait3A_118] : memref<8192x256xf32, #tpu.memory_space<hbm>> -> memref<32x256xf32, #tpu.memory_space<hbm>>
    tpu.wait_dma2 semaphore(%arg19 : memref<!tpu.dma_semaphore, #tpu.memory_space<semaphore_mem>>) src(%dma_wait3A_119 : memref<32x256xf32, #tpu.memory_space<hbm>>) dst(%arg11 : memref<32x256xf32, #tpu.memory_space<vmem>>)
    %add3A_120 = arith.constant 8096 : i32
    %add3A_121 = arith.addi %mul3A_2, %add3A_120 : i32
    %dma_start3A_122 = arith.constant 0 : i32
    %dma_start3A_123 = tpu.memref_slice %arg4[%add3A_121, %dma_start3A_122] : memref<262144x256xf32, #tpu.memory_space<hbm>> -> memref<32x256xf32, #tpu.memory_space<hbm>>
    %dma_start3A_124 = arith.constant 0 : i32
    %dma_start3A_125 = tpu.memref_slice %arg4[%add3A_121, %dma_start3A_124] : memref<262144x256xf32, #tpu.memory_space<hbm>> -> memref<32x256xf32, #tpu.memory_space<hbm>>
    tpu.enqueue_dma source(%arg11 : memref<32x256xf32, #tpu.memory_space<vmem>>) target(%dma_start3A_125 : memref<32x256xf32, #tpu.memory_space<hbm>>) target_semaphore(%arg27 : memref<!tpu.dma_semaphore, #tpu.memory_space<semaphore_mem>>)
    %dma_wait3A_126 = arith.constant 0 : i32
    %dma_wait3A_127 = tpu.memref_slice %arg4[%mul3A_2, %dma_wait3A_126] : memref<262144x256xf32, #tpu.memory_space<hbm>> -> memref<32x256xf32, #tpu.memory_space<hbm>>
    %dma_wait3A_128 = arith.constant 0 : i32
    %dma_wait3A_129 = tpu.memref_slice %arg4[%mul3A_2, %dma_wait3A_128] : memref<262144x256xf32, #tpu.memory_space<hbm>> -> memref<32x256xf32, #tpu.memory_space<hbm>>
    tpu.wait_dma2 semaphore(%arg24 : memref<!tpu.dma_semaphore, #tpu.memory_space<semaphore_mem>>) src(%arg8 : memref<32x256xf32, #tpu.memory_space<vmem>>) dst(%dma_wait3A_129 : memref<32x256xf32, #tpu.memory_space<hbm>>)
    %dma_wait3A_130 = arith.constant 0 : i32
    %dma_wait3A_131 = arith.constant 0 : i32
    %dma_wait3A_132 = tpu.memref_slice %arg2[%dma_wait3A_130, %dma_wait3A_131] : memref<8192x256xf32, #tpu.memory_space<hbm>> -> memref<32x256xf32, #tpu.memory_space<hbm>>
    %dma_wait3A_133 = arith.constant 0 : i32
    %dma_wait3A_134 = arith.constant 0 : i32
    %dma_wait3A_135 = tpu.memref_slice %arg2[%dma_wait3A_133, %dma_wait3A_134] : memref<8192x256xf32, #tpu.memory_space<hbm>> -> memref<32x256xf32, #tpu.memory_space<hbm>>
    tpu.wait_dma2 semaphore(%arg20 : memref<!tpu.dma_semaphore, #tpu.memory_space<semaphore_mem>>) src(%dma_wait3A_135 : memref<32x256xf32, #tpu.memory_space<hbm>>) dst(%arg12 : memref<32x256xf32, #tpu.memory_space<vmem>>)
    %add3A_136 = arith.constant 8128 : i32
    %add3A_137 = arith.addi %mul3A_2, %add3A_136 : i32
    %dma_start3A_138 = arith.constant 0 : i32
    %dma_start3A_139 = tpu.memref_slice %arg4[%add3A_137, %dma_start3A_138] : memref<262144x256xf32, #tpu.memory_space<hbm>> -> memref<32x256xf32, #tpu.memory_space<hbm>>
    %dma_start3A_140 = arith.constant 0 : i32
    %dma_start3A_141 = tpu.memref_slice %arg4[%add3A_137, %dma_start3A_140] : memref<262144x256xf32, #tpu.memory_space<hbm>> -> memref<32x256xf32, #tpu.memory_space<hbm>>
    tpu.enqueue_dma source(%arg12 : memref<32x256xf32, #tpu.memory_space<vmem>>) target(%dma_start3A_141 : memref<32x256xf32, #tpu.memory_space<hbm>>) target_semaphore(%arg28 : memref<!tpu.dma_semaphore, #tpu.memory_space<semaphore_mem>>)
    %dma_wait3A_142 = arith.constant 0 : i32
    %dma_wait3A_143 = tpu.memref_slice %arg4[%mul3A_2, %dma_wait3A_142] : memref<262144x256xf32, #tpu.memory_space<hbm>> -> memref<32x256xf32, #tpu.memory_space<hbm>>
    %dma_wait3A_144 = arith.constant 0 : i32
    %dma_wait3A_145 = tpu.memref_slice %arg4[%mul3A_2, %dma_wait3A_144] : memref<262144x256xf32, #tpu.memory_space<hbm>> -> memref<32x256xf32, #tpu.memory_space<hbm>>
    tpu.wait_dma2 semaphore(%arg25 : memref<!tpu.dma_semaphore, #tpu.memory_space<semaphore_mem>>) src(%arg9 : memref<32x256xf32, #tpu.memory_space<vmem>>) dst(%dma_wait3A_145 : memref<32x256xf32, #tpu.memory_space<hbm>>)
    %dma_wait3A_146 = arith.constant 0 : i32
    %dma_wait3A_147 = arith.constant 0 : i32
    %dma_wait3A_148 = tpu.memref_slice %arg2[%dma_wait3A_146, %dma_wait3A_147] : memref<8192x256xf32, #tpu.memory_space<hbm>> -> memref<32x256xf32, #tpu.memory_space<hbm>>
    %dma_wait3A_149 = arith.constant 0 : i32
    %dma_wait3A_150 = arith.constant 0 : i32
    %dma_wait3A_151 = tpu.memref_slice %arg2[%dma_wait3A_149, %dma_wait3A_150] : memref<8192x256xf32, #tpu.memory_space<hbm>> -> memref<32x256xf32, #tpu.memory_space<hbm>>
    tpu.wait_dma2 semaphore(%arg21 : memref<!tpu.dma_semaphore, #tpu.memory_space<semaphore_mem>>) src(%dma_wait3A_151 : memref<32x256xf32, #tpu.memory_space<hbm>>) dst(%arg13 : memref<32x256xf32, #tpu.memory_space<vmem>>)
    %add3A_152 = arith.constant 8160 : i32
    %add3A_153 = arith.addi %mul3A_2, %add3A_152 : i32
    %dma_start3A_154 = arith.constant 0 : i32
    %dma_start3A_155 = tpu.memref_slice %arg4[%add3A_153, %dma_start3A_154] : memref<262144x256xf32, #tpu.memory_space<hbm>> -> memref<32x256xf32, #tpu.memory_space<hbm>>
    %dma_start3A_156 = arith.constant 0 : i32
    %dma_start3A_157 = tpu.memref_slice %arg4[%add3A_153, %dma_start3A_156] : memref<262144x256xf32, #tpu.memory_space<hbm>> -> memref<32x256xf32, #tpu.memory_space<hbm>>
    tpu.enqueue_dma source(%arg13 : memref<32x256xf32, #tpu.memory_space<vmem>>) target(%dma_start3A_157 : memref<32x256xf32, #tpu.memory_space<hbm>>) target_semaphore(%arg29 : memref<!tpu.dma_semaphore, #tpu.memory_space<semaphore_mem>>)
    %dma_wait3A_158 = arith.constant 0 : i32
    %dma_wait3A_159 = tpu.memref_slice %arg4[%mul3A_2, %dma_wait3A_158] : memref<262144x256xf32, #tpu.memory_space<hbm>> -> memref<32x256xf32, #tpu.memory_space<hbm>>
    %dma_wait3A_160 = arith.constant 0 : i32
    %dma_wait3A_161 = tpu.memref_slice %arg4[%mul3A_2, %dma_wait3A_160] : memref<262144x256xf32, #tpu.memory_space<hbm>> -> memref<32x256xf32, #tpu.memory_space<hbm>>
    tpu.wait_dma2 semaphore(%arg26 : memref<!tpu.dma_semaphore, #tpu.memory_space<semaphore_mem>>) src(%arg10 : memref<32x256xf32, #tpu.memory_space<vmem>>) dst(%dma_wait3A_161 : memref<32x256xf32, #tpu.memory_space<hbm>>)
    %dma_wait3A_162 = arith.constant 0 : i32
    %dma_wait3A_163 = tpu.memref_slice %arg4[%mul3A_2, %dma_wait3A_162] : memref<262144x256xf32, #tpu.memory_space<hbm>> -> memref<32x256xf32, #tpu.memory_space<hbm>>
    %dma_wait3A_164 = arith.constant 0 : i32
    %dma_wait3A_165 = tpu.memref_slice %arg4[%mul3A_2, %dma_wait3A_164] : memref<262144x256xf32, #tpu.memory_space<hbm>> -> memref<32x256xf32, #tpu.memory_space<hbm>>
    tpu.wait_dma2 semaphore(%arg27 : memref<!tpu.dma_semaphore, #tpu.memory_space<semaphore_mem>>) src(%arg11 : memref<32x256xf32, #tpu.memory_space<vmem>>) dst(%dma_wait3A_165 : memref<32x256xf32, #tpu.memory_space<hbm>>)
    %dma_wait3A_166 = arith.constant 0 : i32
    %dma_wait3A_167 = tpu.memref_slice %arg4[%mul3A_2, %dma_wait3A_166] : memref<262144x256xf32, #tpu.memory_space<hbm>> -> memref<32x256xf32, #tpu.memory_space<hbm>>
    %dma_wait3A_168 = arith.constant 0 : i32
    %dma_wait3A_169 = tpu.memref_slice %arg4[%mul3A_2, %dma_wait3A_168] : memref<262144x256xf32, #tpu.memory_space<hbm>> -> memref<32x256xf32, #tpu.memory_space<hbm>>
    tpu.wait_dma2 semaphore(%arg28 : memref<!tpu.dma_semaphore, #tpu.memory_space<semaphore_mem>>) src(%arg12 : memref<32x256xf32, #tpu.memory_space<vmem>>) dst(%dma_wait3A_169 : memref<32x256xf32, #tpu.memory_space<hbm>>)
    %dma_wait3A_170 = arith.constant 0 : i32
    %dma_wait3A_171 = tpu.memref_slice %arg4[%mul3A_2, %dma_wait3A_170] : memref<262144x256xf32, #tpu.memory_space<hbm>> -> memref<32x256xf32, #tpu.memory_space<hbm>>
    %dma_wait3A_172 = arith.constant 0 : i32
    %dma_wait3A_173 = tpu.memref_slice %arg4[%mul3A_2, %dma_wait3A_172] : memref<262144x256xf32, #tpu.memory_space<hbm>> -> memref<32x256xf32, #tpu.memory_space<hbm>>
    tpu.wait_dma2 semaphore(%arg29 : memref<!tpu.dma_semaphore, #tpu.memory_space<semaphore_mem>>) src(%arg13 : memref<32x256xf32, #tpu.memory_space<vmem>>) dst(%dma_wait3A_173 : memref<32x256xf32, #tpu.memory_space<hbm>>)
    return
  }
}

</mosaic_0001>

<sc_bundles>
// kernel: kernel.3.cloned.1.call-start
scs
__scs_entry_jumppad:
0x0: {  	(pc) =	sbr.rel $0x88, $3  }
0x1: {  	(tag) =	ssettag $0x0;
	lr =	simm.s32 $0x1  }
0x2: {  	[smem:$0x3F9F] =	sst lr;
	_ =	strace $0xD0000000  }
0x3: {  	_ = 	snop  }
0x4: {  	_ = 	snop  }
0x5: {  	_ = 	snop  }
0x6: {  	_ = 	snop  }
0x7: {  	_ = 	snop  }
__scs_overlays_trampoline_lowered:
0x8: {  	[smem:$0x3FAE] =	sst s0  }
0x9: {  	[smem:$0x3FAF] =	sst s1  }
0xa: {  	[smem:$0x3FB0] =	sst s2  }
0xb: {  	[smem:$0x3FB1] =	sst s3  }
0xc: {  	[smem:$0x3FB2] =	sst s4  }
0xd: {  	[smem:$0x3FB3] =	sst s5  }
0xe: {  	[smem:$0x3FB4] =	sst s6  }
0xf: {  	[smem:$0x3FB5] =	sst s7  }
0x10: {  	[smem:$0x3FB6] =	sst s8  }
0x11: {  	[smem:$0x3FB7] =	sst s9;
	s0 =	simm.s32 @!p0 $0x0  }
0x12: {  	s1 =	sld [smem:$0x3F9D];
	s0 =	simm.s32 @p0 $0x1  }
0x13: {  	[smem:$0x3FB8] =	sst s0;
	s0 =	simm.s32 @!p1 $0x0  }
0x14: {  	s2 =	sld [smem:$0x3F9C];
	s0 =	simm.s32 @p1 $0x1  }
0x15: {  	[smem:$0x3FB9] =	sst s0;
	s0 =	simm.s32 @!p2 $0x0  }
0x16: {  	s3 =	sld [smem:$0x3FDB];
	s0 =	simm.s32 @p2 $0x1  }
0x17: {  	s4 =	simm.s32 $0x1BF5;
	[smem:$0x3FBB] =	sst s0  }
0x18: {  	s0 =	sld [smem:$0x3F9E];
	_ =	swait.ge [sflag:s4], $0x0  }
0x19: {  	s7 =	sld [smem:$0x3F9F]  }
0x1a: {  	s8 =	sadd.s32 $0xFFFFE003, lr  }
0x1b: {  	s9 =	sadd.s32 $0xFFFFFEF7, lr;
	s5 =	simm.s32 $0xFFFFFFFF;
	p2 =	slt.u32 s8, $0xFFFFF086  }
0x1c: {  	p1 =	slt.u32 s9, $0xF7A;
	s5 =	simm.s32 @!p2 $0x0  }
0x1d: {  	s5 =	simm.s32 @p1 $0x1;
	p0 =	seq.s32 s7, s2  }
0x1e: {  	s7 =	smul.u32 @!p0 $0xF7A, s2;
	p2 =	seq.s32 @!p0 s5, $0x0  }
0x1f: {  	s9 =	smul.u32 $0xF7A, s1;
	s8 =	simm.s32 @!p0 $0x1BF5;
	p2 =	por !p2, p0  }
0x20: {  	[sflag:s8] =	ssyncset.s32 @!p0 $0xFFFFF086;
	s6 =	sadd.s32 @!p0 s3, s7;
	s7 =	simm.s32 @!p0 $0x108  }
0x21: {  	s3 =	sadd.s32 s3, s9;
	s6 =	sadd.s32 @!p0 $0x88, s6;
	s7 =	simm.s32 @p2 $0x1082  }
0x22: {  	[simem:s7], [sflag:s8] =	dma.local @!p0 [hbm:s6], $0xF7A  }
0x23: {  	s9 =	sor.u32 $0xD0000000, s2;
	s6 =	simm.s32 $0x108;
	_ =	swait.ge @!p0 [sflag:s8], $0x0  }
0x24: {  	s3 =	sadd.s32 $0x88, s3;
	s6 =	simm.s32 @!p1 $0x1082;
	[sflag:s4] =	ssyncset.s32 $0xFFFFF086  }
0x25: {  	[simem:s6], [sflag:s4] =	dma.local [hbm:s3], $0xF7A  }
0x26: {  	[smem:$0x3F9F] =	sst s1;
	(tag) =	ssettag s2;
	_ =	strace s9  }
0x27: {  	s1 =	sld [smem:$0x3FAF]  }
0x28: {  	s2 =	sld [smem:$0x3FB0]  }
0x29: {  	s4 =	sld [smem:$0x3FB2]  }
0x2a: {  	p0 =	seq.s32 s5, $0x0;
	s5 =	sld [smem:$0x3FB3]  }
0x2b: {  	s6 =	sld [smem:$0x3FB4]  }
0x2c: {  	s7 =	sld [smem:$0x3FB5]  }
0x2d: {  	s3 =	simm.s32 $0x108;
	s8 =	sld [smem:$0x3FB6]  }
0x2e: {  	s3 =	simm.s32 @!p0 $0x1082;
	s9 =	sld [smem:$0x3FB7]  }
0x2f: {  	lr =	sadd.s32 s0, s3;
	s0 =	sld [smem:$0x3FAE]  }
0x30: {  	s3 =	sld [smem:$0x3FB1]  }
0x31: {  	[smem:$0x3FBA] =	sst s10  }
0x32: {  	s10 =	sld [smem:$0x3FB8];
	_ =	sdelay $0x3  }
0x33: {  	p0 =	seq.s32 s10, $0x1;
	s10 =	sld [smem:$0x3FBA];
	_ =	sdelay $0x3  }
0x34: {  	[smem:$0x3FBA] =	sst s10  }
0x35: {  	s10 =	sld [smem:$0x3FB9];
	_ =	sdelay $0x3  }
0x36: {  	p1 =	seq.s32 s10, $0x1;
	s10 =	sld [smem:$0x3FBA];
	_ =	sdelay $0x3  }
0x37: {  	[smem:$0x3FBA] =	sst s10  }
0x38: {  	s10 =	sld [smem:$0x3FBB]  }
0x39: {  	_ = 	snop;
	(pc) =	sbr.ind lr, $3  }
0x3a: {  	_ = 	snop  }
0x3b: {  	_ = 	snop  }
0x3c: {  	p2 =	seq.s32 s10, $0x1;
	s10 =	sld [smem:$0x3FBA]  }
0x3d: {  	_ =	shalt  }
0x3e: {  	_ =	shalt  }
0x3f: {  	_ =	shalt  }
0x40: {  	_ =	shalt  }
0x41: {  	_ =	shalt  }
0x42: {  	_ =	shalt  }
0x43: {  	_ =	shalt  }
0x44: {  	_ =	shalt  }
0x45: {  	_ =	shalt  }
0x46: {  	_ =	shalt  }
0x47: {  	_ =	shalt  }
0x48: {  	_ =	shalt  }
0x49: {  	_ =	shalt  }
0x4a: {  	_ =	shalt  }
0x4b: {  	_ =	shalt  }
0x4c: {  	_ =	shalt  }
0x4d: {  	_ =	shalt  }
0x4e: {  	_ =	shalt  }
0x4f: {  	_ =	shalt  }
0x50: {  	_ =	shalt  }
0x51: {  	_ =	shalt  }
0x52: {  	_ =	shalt  }
0x53: {  	_ =	shalt  }
0x54: {  	_ =	shalt  }
0x55: {  	_ =	shalt  }
0x56: {  	_ =	shalt  }
0x57: {  	_ =	shalt  }
0x58: {  	_ =	shalt  }
0x59: {  	_ =	shalt  }
0x5a: {  	_ =	shalt  }
0x5b: {  	_ =	shalt  }
0x5c: {  	_ =	shalt  }
0x5d: {  	_ =	shalt  }
0x5e: {  	_ =	shalt  }
0x5f: {  	_ =	shalt  }
0x60: {  	_ =	shalt  }
0x61: {  	_ =	shalt  }
0x62: {  	_ =	shalt  }
0x63: {  	_ =	shalt  }
0x64: {  	_ =	shalt  }
0x65: {  	_ =	shalt  }
0x66: {  	_ =	shalt  }
0x67: {  	_ =	shalt  }
0x68: {  	_ =	shalt  }
0x69: {  	_ =	shalt  }
0x6a: {  	_ =	shalt  }
0x6b: {  	_ =	shalt  }
0x6c: {  	_ =	shalt  }
0x6d: {  	_ =	shalt  }
0x6e: {  	_ =	shalt  }
0x6f: {  	_ =	shalt  }
0x70: {  	_ =	shalt  }
0x71: {  	_ =	shalt  }
0x72: {  	_ =	shalt  }
0x73: {  	_ =	shalt  }
0x74: {  	_ =	shalt  }
0x75: {  	_ =	shalt  }
0x76: {  	_ =	shalt  }
0x77: {  	_ =	shalt  }
0x78: {  	_ =	shalt  }
0x79: {  	_ =	shalt  }
0x7a: {  	_ =	shalt  }
0x7b: {  	_ =	shalt  }
0x7c: {  	_ =	shalt  }
0x7d: {  	_ =	shalt  }
0x7e: {  	_ =	shalt  }
0x7f: {  	_ =	shalt  }
0x80: {  	_ =	shalt  }
0x81: {  	_ =	shalt  }
0x82: {  	_ =	shalt  }
0x83: {  	_ =	shalt  }
0x84: {  	_ =	shalt  }
0x85: {  	_ =	shalt  }
0x86: {  	_ =	shalt  }
0x87: {  	_ =	shalt  }
.Lfunc_end0:
.L_simem_size_0:
called_computation_lowered:
.L_overlay_start_0:
0x88: {  	s2 =	sld [smem:$0x3FD9]  }
0x89: {  	s3 =	sld [smem:$0x3FFE];
	_ =	sdelay $0x1  }
0x8a: {  	s1 =	srdreg.scid  }
0x8b: {  	s0 =	sand.u32 $0x1, s1  }
0x8c: {  	s18 =	sshll.u32 s0, $0xA;
	s2 =	sadd.s32 s3, s2  }
0x8d: {  	s2 =	sadd.s32 s2, s18  }
0x8e: {  	[smem:$0x3FC6] =	sst s2  }
0x8f: {  	_ = 	snop  }
0x90: {  	s2 =	sld [smem:$0x3FC9]  }
0x91: {  	s19 =	sld [smem:$0x3FC8]  }
0x92: {  	s4 =	sld [smem:$0x3FD0];
	(tm) =	ssettm $0x1  }
0x93: {  	s5 =	sld [smem:$0x3FFB];
	_ =	sdelay $0x3  }
0x94: {  	_ =	strace s5  }
0x95: {  	s5 =	sld [smem:$0x3FFC];
	_ =	sdelay $0x3  }
0x96: {  	_ =	strace s5  }
0x97: {  	s5 =	sld [smem:$0x3FFD];
	_ =	sdelay $0x3  }
0x98: {  	_ =	strace s5  }
0x99: {  	_ =	strace $0x8FFFFFFF  }
0x9a: {  	s20 =	sld [smem:$0x3FDB];
	_ =	sdelay $0x1  }
0x9b: {  	s6 =	simm.s32 $_scs_section_size  }
0x9c: {  	s7 =	simm.s32 $_size__tile_overlayer_lowered;
	s8 =	simm.s32 $_tile_overlayer_lowered  }
0x9d: {  	s23 =	simm.s32 $0x1BFF;
	s22 =	sshll.u32 s8, $0x1;
	s5 =	sadd.s32 s6, s20  }
0x9e: {  	s9 =	simm.s32 $0x0;
	s21 =	sshll.u32 s7, $0x1;
	s7 =	sadd.s32 s22, s5  }
0x9f: {  	[timem:s9], [sflag:s23] =	dma.local [hbm:s7], s21  }
0xa0: {  	_ =	swait.ge [sflag:s23], s21  }
0xa1: {  	s6 =	ssub.s32 $0x0, s21;
	[sflag:s23] =	ssyncset.done $0x0  }
0xa2: {  	[sflag:s23] =	ssyncadd.s32 s6;
	_ =	sdelay $0x1  }
0xa3: {  	s24 =	simm.s32 $0x1B8B  }
0xa4: {  	_ =	swait.ge [sflag:s24], $0x1  }
0xa5: {  	[sflag:s24] =	ssyncset.done $0x0  }
0xa6: {  	s25 =	simm.s32 $0x1B8E;
	[sflag:s24] =	ssyncadd.s32 $0xFFFFFFFF  }
0xa7: {  	s26 =	simm.s32 $execute0_lowered;
	[smem:$0x3FD2] =	sst s25  }
0xa8: {  	s6 =	sshll.u32 s26, $0x1;
	_ =	strace $0x80000046;
	[dreg:$0x1] =	wrdreg $0xFFFFFFFF  }
0xa9: {  	s28 =	simm.s32 $_size_execute0_lowered;
	s5 =	sadd.s32 s5, s6;
	[dreg:$0x0] =	wrdreg $0x0  }
0xaa: {  	s6 =	sshll.u32 s28, $0x1;
	[dreg:$0x2] =	wrdreg s5  }
0xab: {  	[dreg:$0x3] =	wrdreg s6  }
0xac: {  	[dreg:$0x4] =	wrdreg $0xC0  }
0xad: {  	_ =	task [dreg:s9], $0x5FFFF  }
0xae: {  	[dreg:$0x1] =	wrdreg $0xFFFFFFFF  }
0xaf: {  	[dreg:$0x0] =	wrdreg $0x60  }
0xb0: {  	[dreg:$0x2] =	wrdreg s2  }
0xb1: {  	[dreg:$0x3] =	wrdreg s19  }
0xb2: {  	[dreg:$0x4] =	wrdreg s4  }
0xb3: {  	[dreg:$0x5] =	wrdreg $0x9  }
0xb4: {  	_ =	task.clear_ibuf [dreg:s9], $0x6FFFF;
	_ =	strace $0x90000046  }
0xb5: {  	s29 =	simm.s32 $0x9;
	_ =	strace $0x80000048  }
0xb6: {  	_ =	swait.ge [sflag:s29], $0x1  }
0xb7: {  	[sflag:s29] =	ssyncadd.s32 $0xFFFFFFFF  }
0xb8: {  	_ =	strace $0x90000048  }
0xb9: {  	_ =	sfence  }
0xba: {  	s30 =	sld [smem:$0x0];
	_ =	sdelay $0x2  }
0xbb: {  	s31 =	sshll.u32 s1, $0xD;
	s1 =	sshrl.u32 s1, $0x2  }
0xbc: {  	s3 =	sand.u32 $0x4000, s31;
	s1 =	sadd.s32 s1, s30  }
0xbd: {  	s0 =	sor.u32 s3, s0;
	s1 =	sshll.u32 s1, $0x11  }
0xbe: {  	s0 =	sor.u32 s1, s0  }
0xbf: {  	s0 =	sadd.s32 $0x8F2B, s0  }
0xc0: {  	[sflag:s0] =	ssyncadd.remote.s32 $0x1  }
0xc1: {  	_ =	sfence.sel $0xFFFF  }
0xc2: {  	[dreg:$0x0] =	wrdreg $0xFFFFFFFF;
	(pc) =	sbr.abs _section_cstart, $3  }
0xc3: {  	[dreg:$0x1] =	wrdreg $0xFFFFFFFF  }
0xc4: {  	_ =	task.clear_ibuf [dreg:s9], $0x2FFFF;
	_ =	strace $0x9FFFFFFF  }
0xc5: {  	(tm) =	ssettm $0x7FFFFFFF  }
tec
execute0_lowered:
.L_overlay_start_1:
0x0: {  	(tag) =	ssettag $0x1  }
0x1: {  	s1 =	rddreg [dreg:$0x0]  }
0x2: {  	s0 =	rddreg [dreg:$0x1]  }
0x3: {  	s2 =	rddreg [dreg:$0x2]  }
0x4: {  	s4 =	srdreg.scid;
	s3 =	simm.s32 $0x0;
	s9 =	stileid.u32  }
0x5: {  	s13 =	simm.s32 $0x4800;
	s28 =	simm.s32 $0xC000;
	s12 =	simm.s32 $0x2  }
0x6: {  	s15 =	simm.s32 $0xE000;
	s29 =	simm.s32 $0xA;
	s30 =	simm.s32 $0x6  }
0x7: {  	s31 =	simm.s32 $0xB;
	s10 =	simm.s32 $0xE;
	s11 =	simm.s32 $0xF  }
0x8: {  	s14 =	simm.s32 $0x0;
	s4 =	sand.u32 $0x1, s4;
	[smem:$0x7FF] =	sst s3  }
0x9: {  	s5 =	sshll.u32 s9, $0xE;
	s22 =	sshll.u32 s9, $0x13;
	s9 =	simm.s32 $0xD  }
0xa: {  	s6 =	sshll.u32 s4, $0xD;
	_ =	strace $0x80000047;
	s7 =	ssub.s32 $0x2, s4  }
0xb: {  	s24 =	sshll.u32 s4, $0x12;
	s4 =	simm.s32 $0xC;
	s5 =	sor.u32 s6, s5  }
0xc: {  	[dreg:$0xf] =	wrdreg s14;
	s16 =	sshrl.u32 s7, $0x1;
	s8 =	sshrl.u32 s5, $0x3  }
0xd: {  	s5 =	sshll.u32 s5, $0x5;
	s6 =	ssub.s32 s7, s16;
	s0 =	sadd.s32 s0, s8  }
0xe: {  	s16 =	simm.s32 $0x3800;
	s5 =	sadd.s32 s2, s5;
	[dreg:$0x5] =	wrdreg s0  }
0xf: {  	s7 =	simm.s32 $0x1;
	s26 =	smax.u32 s6, $0x1;
	[dreg:$0x6] =	wrdreg s5  }
0x10: {  	s8 =	simm.s32 $0x6800;
	s17 =	sadd.s32 $0x400, s5;
	[dreg:$0xe] =	wrdreg s26  }
0x11: {  	s6 =	simm.s32 $0x8;
	s18 =	sadd.s32 $0x800, s5;
	[dreg:$0x7] =	wrdreg s17  }
0x12: {  	s19 =	sadd.s32 $0xC00, s5;
	s20 =	sadd.s32 $0x3F000, s5;
	[dreg:$0x8] =	wrdreg s18  }
0x13: {  	s21 =	sadd.s32 $0x3F400, s5;
	s23 =	sadd.s32 $0x3F800, s5;
	[dreg:$0x9] =	wrdreg s19  }
0x14: {  	s0 =	sadd.s32 s22, s2;
	s25 =	sadd.s32 $0x3FC00, s5;
	[dreg:$0xa] =	wrdreg s20  }
0x15: {  	s22 =	simm.s32 $0x5800;
	s26 =	simm.s32 $0x5;
	[dreg:$0xb] =	wrdreg s21  }
0x16: {  	s2 =	simm.s32 $0x7;
	s5 =	simm.s32 $0x10;
	[dreg:$0xc] =	wrdreg s23  }
0x17: {  	[dreg:$0xd] =	wrdreg s25;
	s0 =	sadd.s32 s24, s0;
	s19 =	simm.s32 $0x2000  }
0x18: {  	v2 =	vlaneseq.u32;
	s20 =	simm.s32 $0x2800;
	s21 =	simm.s32 $0x3000;
	s23 =	simm.s32 $0x5000  }
0x19: {  	vm0 =	vmmov $0xffff;
	v1 =	vshrl.u32 v2, $0x3;
	s17 =	simm.s32 $0x3;
	s18 =	simm.s32 $0x10000;
	s24 =	simm.s32 $0x4  }
0x1a: {  	v0 =	vand.u32 $0x7, v2;
	v2 =	vor.u32 $0x8, v2;
	v1 =	vmul.u32 $0x8, v1;
	s25 =	simm.s32 $0x9;
	[dreg:$0x4] =	wrdreg s0;
	s0 =	simm.s32 $0xA000  }
.LBB2_1:
0x1b: {  	s14 =	rddreg [dreg:$0x5]  }
0x1c: {  	[tilespmem:s3], [sflag:$0x11] =	stream.linear.gather [hbm4b:s14+s3], $0x2000, $0x38;
	[tilespmem:$0x12000] =	vst v63  }
0x1d: {  	s14 =	simm.s32 $0x11  }
0x1e: {  	_ =	swait.ge [sflag:s14], $0x2000  }
0x1f: {  	[sflag:s14] =	ssyncset.done $0x0  }
0x20: {  	[sflag:s14] =	ssyncadd.s32 $0xFFFFE000  }
0x21: {  	v3 =	vld [tilespmem:$0x0];
	_ =	sdelay $0x4  }
0x22: {  	v4 =	vshll.u32 v3, $0x1  }
0x23: {  	v3 =	vand.u32 $0x7, v3;
	v4 =	vand.u32 $0xFFFFFFF0, v4  }
0x24: {  	v3 =	vor.u32 v3, v4  }
0x25: {  	v4 =	vperm.xlane v3, v0;
	_ =	sdelay $0x1  }
0x26: {  	v3 =	vperm.xlane v3, v2;
	v4 =	vadd.s32 v1, v4;
	_ =	sdelay $0x1  }
0x27: {  	v3 =	vadd.s32 v1, v3;
	_ =	sdelay $0x2  }
0x28: {  	[tilespmem:s19], [sflag:$0x1] =	stream.indirect_vreg.gather [hbm4b:s1+s3], $0x80, v4, vm0, $0xb8;
	[tilespmem:$0x12000] =	vst v63  }
0x29: {  	_ = 	snop  }
0x2a: {  	[tilespmem:s20], [sflag:$0x1] =	stream.indirect_vreg.gather [hbm4b:s1+s3], $0x80, v3, vm0, $0xb8;
	[tilespmem:$0x12000] =	vst v63  }
0x2b: {  	v3 =	vld [tilespmem:$0x10];
	_ =	sdelay $0x4  }
0x2c: {  	v49 =	vshll.u32 v3, $0x1  }
0x2d: {  	v3 =	vand.u32 $0x7, v3;
	v4 =	vand.u32 $0xFFFFFFF0, v49  }
0x2e: {  	v3 =	vor.u32 v3, v4  }
0x2f: {  	v4 =	vperm.xlane v3, v0;
	_ =	sdelay $0x1  }
0x30: {  	v3 =	vperm.xlane v3, v2;
	v4 =	vadd.s32 v1, v4;
	_ =	sdelay $0x1  }
0x31: {  	v3 =	vadd.s32 v1, v3;
	_ =	sdelay $0x2  }
0x32: {  	[tilespmem:s21], [sflag:$0x1] =	stream.indirect_vreg.gather [hbm4b:s1+s3], $0x80, v4, vm0, $0xb8;
	[tilespmem:$0x12000] =	vst v63  }
0x33: {  	_ = 	snop  }
0x34: {  	[tilespmem:s16], [sflag:$0x1] =	stream.indirect_vreg.gather [hbm4b:s1+s3], $0x80, v3, vm0, $0xb8;
	[tilespmem:$0x12000] =	vst v63  }
0x35: {  	v3 =	vld [tilespmem:$0x20];
	_ =	sdelay $0x4  }
0x36: {  	v50 =	vshll.u32 v3, $0x1  }
0x37: {  	v3 =	vand.u32 $0x7, v3;
	v4 =	vand.u32 $0xFFFFFFF0, v50  }
0x38: {  	v3 =	vor.u32 v3, v4  }
0x39: {  	v4 =	vperm.xlane v3, v0;
	_ =	sdelay $0x1  }
0x3a: {  	v3 =	vperm.xlane v3, v2;
	v4 =	vadd.s32 v1, v4;
	_ =	sdelay $0x1  }
0x3b: {  	v3 =	vadd.s32 v1, v3;
	_ =	sdelay $0x1  }
0x3c: {  	s16 =	simm.s32 $0x4000  }
0x3d: {  	[tilespmem:s16], [sflag:$0x2] =	stream.indirect_vreg.gather [hbm4b:s1+s3], $0x80, v4, vm0, $0xb8;
	[tilespmem:$0x12000] =	vst v63  }
0x3e: {  	_ = 	snop  }
0x3f: {  	[tilespmem:s13], [sflag:$0x2] =	stream.indirect_vreg.gather [hbm4b:s1+s3], $0x80, v3, vm0, $0xb8;
	[tilespmem:$0x12000] =	vst v63  }
0x40: {  	v3 =	vld [tilespmem:$0x30];
	_ =	sdelay $0x4  }
0x41: {  	v51 =	vshll.u32 v3, $0x1  }
0x42: {  	v3 =	vand.u32 $0x7, v3;
	v4 =	vand.u32 $0xFFFFFFF0, v51  }
0x43: {  	v3 =	vor.u32 v3, v4  }
0x44: {  	v4 =	vperm.xlane v3, v0;
	_ =	sdelay $0x1  }
0x45: {  	v3 =	vperm.xlane v3, v2;
	v4 =	vadd.s32 v1, v4;
	_ =	sdelay $0x1  }
0x46: {  	v3 =	vadd.s32 v1, v3;
	_ =	sdelay $0x2  }
0x47: {  	[tilespmem:s23], [sflag:$0x2] =	stream.indirect_vreg.gather [hbm4b:s1+s3], $0x80, v4, vm0, $0xb8;
	[tilespmem:$0x12000] =	vst v63  }
0x48: {  	_ = 	snop  }
0x49: {  	[tilespmem:s22], [sflag:$0x2] =	stream.indirect_vreg.gather [hbm4b:s1+s3], $0x80, v3, vm0, $0xb8;
	[tilespmem:$0x12000] =	vst v63  }
0x4a: {  	v3 =	vld [tilespmem:$0x40];
	_ =	sdelay $0x4  }
0x4b: {  	v52 =	vshll.u32 v3, $0x1  }
0x4c: {  	v3 =	vand.u32 $0x7, v3;
	v4 =	vand.u32 $0xFFFFFFF0, v52  }
0x4d: {  	v3 =	vor.u32 v3, v4  }
0x4e: {  	v4 =	vperm.xlane v3, v0;
	_ =	sdelay $0x1  }
0x4f: {  	v3 =	vperm.xlane v3, v2;
	v4 =	vadd.s32 v1, v4;
	_ =	sdelay $0x1  }
0x50: {  	v3 =	vadd.s32 v1, v3;
	_ =	sdelay $0x1  }
0x51: {  	s13 =	simm.s32 $0x6000  }
0x52: {  	[tilespmem:s13], [sflag:$0x3] =	stream.indirect_vreg.gather [hbm4b:s1+s3], $0x80, v4, vm0, $0xb8;
	[tilespmem:$0x12000] =	vst v63  }
0x53: {  	_ = 	snop  }
0x54: {  	[tilespmem:s8], [sflag:$0x3] =	stream.indirect_vreg.gather [hbm4b:s1+s3], $0x80, v3, vm0, $0xb8;
	[tilespmem:$0x12000] =	vst v63  }
0x55: {  	v3 =	vld [tilespmem:$0x50];
	_ =	sdelay $0x4  }
0x56: {  	v53 =	vshll.u32 v3, $0x1  }
0x57: {  	v3 =	vand.u32 $0x7, v3;
	v4 =	vand.u32 $0xFFFFFFF0, v53  }
0x58: {  	v3 =	vor.u32 v3, v4  }
0x59: {  	v4 =	vperm.xlane v3, v0;
	_ =	sdelay $0x1  }
0x5a: {  	v3 =	vperm.xlane v3, v2;
	v4 =	vadd.s32 v1, v4;
	_ =	sdelay $0x1  }
0x5b: {  	v3 =	vadd.s32 v1, v3;
	_ =	sdelay $0x1  }
0x5c: {  	s14 =	simm.s32 $0x7000  }
0x5d: {  	[tilespmem:s14], [sflag:$0x3] =	stream.indirect_vreg.gather [hbm4b:s1+s3], $0x80, v4, vm0, $0xb8;
	[tilespmem:$0x12000] =	vst v63  }
0x5e: {  	s22 =	simm.s32 $0x7800  }
0x5f: {  	[tilespmem:s22], [sflag:$0x3] =	stream.indirect_vreg.gather [hbm4b:s1+s3], $0x80, v3, vm0, $0xb8;
	[tilespmem:$0x12000] =	vst v63  }
0x60: {  	v3 =	vld [tilespmem:$0x60];
	_ =	sdelay $0x4  }
0x61: {  	v54 =	vshll.u32 v3, $0x1  }
0x62: {  	v3 =	vand.u32 $0x7, v3;
	v4 =	vand.u32 $0xFFFFFFF0, v54  }
0x63: {  	v3 =	vor.u32 v3, v4  }
0x64: {  	v4 =	vperm.xlane v3, v0;
	_ =	sdelay $0x1  }
0x65: {  	v3 =	vperm.xlane v3, v2;
	v4 =	vadd.s32 v1, v4;
	_ =	sdelay $0x1  }
0x66: {  	v3 =	vadd.s32 v1, v3;
	_ =	sdelay $0x1  }
0x67: {  	s22 =	simm.s32 $0x8000  }
0x68: {  	[tilespmem:s22], [sflag:$0x4] =	stream.indirect_vreg.gather [hbm4b:s1+s3], $0x80, v4, vm0, $0xb8;
	[tilespmem:$0x12000] =	vst v63  }
0x69: {  	s23 =	simm.s32 $0x8800  }
0x6a: {  	[tilespmem:s23], [sflag:$0x4] =	stream.indirect_vreg.gather [hbm4b:s1+s3], $0x80, v3, vm0, $0xb8;
	[tilespmem:$0x12000] =	vst v63  }
0x6b: {  	v3 =	vld [tilespmem:$0x70];
	_ =	sdelay $0x4  }
0x6c: {  	v55 =	vshll.u32 v3, $0x1  }
0x6d: {  	v3 =	vand.u32 $0x7, v3;
	v4 =	vand.u32 $0xFFFFFFF0, v55  }
0x6e: {  	v3 =	vor.u32 v3, v4  }
0x6f: {  	v4 =	vperm.xlane v3, v0;
	_ =	sdelay $0x1  }
0x70: {  	v3 =	vperm.xlane v3, v2;
	v4 =	vadd.s32 v1, v4;
	_ =	sdelay $0x1  }
0x71: {  	v3 =	vadd.s32 v1, v3;
	_ =	sdelay $0x1  }
0x72: {  	s14 =	simm.s32 $0x9000  }
0x73: {  	[tilespmem:s14], [sflag:$0x4] =	stream.indirect_vreg.gather [hbm4b:s1+s3], $0x80, v4, vm0, $0xb8;
	[tilespmem:$0x12000] =	vst v63  }
0x74: {  	s23 =	simm.s32 $0x9800  }
0x75: {  	[tilespmem:s23], [sflag:$0x4] =	stream.indirect_vreg.gather [hbm4b:s1+s3], $0x80, v3, vm0, $0xb8;
	[tilespmem:$0x12000] =	vst v63  }
0x76: {  	v3 =	vld [tilespmem:$0x80];
	_ =	sdelay $0x4  }
0x77: {  	v56 =	vshll.u32 v3, $0x1  }
0x78: {  	v3 =	vand.u32 $0x7, v3;
	v4 =	vand.u32 $0xFFFFFFF0, v56  }
0x79: {  	v3 =	vor.u32 v3, v4  }
0x7a: {  	v4 =	vperm.xlane v3, v0;
	_ =	sdelay $0x1  }
0x7b: {  	v3 =	vperm.xlane v3, v2;
	v4 =	vadd.s32 v1, v4;
	_ =	sdelay $0x1  }
0x7c: {  	v3 =	vadd.s32 v1, v3;
	_ =	sdelay $0x2  }
0x7d: {  	[tilespmem:s0], [sflag:$0x5] =	stream.indirect_vreg.gather [hbm4b:s1+s3], $0x80, v4, vm0, $0xb8;
	[tilespmem:$0x12000] =	vst v63  }
0x7e: {  	s8 =	simm.s32 $0xA800  }
0x7f: {  	[tilespmem:s8], [sflag:$0x5] =	stream.indirect_vreg.gather [hbm4b:s1+s3], $0x80, v3, vm0, $0xb8;
	[tilespmem:$0x12000] =	vst v63  }
0x80: {  	v3 =	vld [tilespmem:$0x90];
	_ =	sdelay $0x4  }
0x81: {  	v57 =	vshll.u32 v3, $0x1  }
0x82: {  	v3 =	vand.u32 $0x7, v3;
	v4 =	vand.u32 $0xFFFFFFF0, v57  }
0x83: {  	v3 =	vor.u32 v3, v4  }
0x84: {  	v4 =	vperm.xlane v3, v0;
	_ =	sdelay $0x1  }
0x85: {  	v3 =	vperm.xlane v3, v2;
	v4 =	vadd.s32 v1, v4;
	_ =	sdelay $0x1  }
0x86: {  	v3 =	vadd.s32 v1, v3;
	_ =	sdelay $0x1  }
0x87: {  	s14 =	simm.s32 $0xB000  }
0x88: {  	[tilespmem:s14], [sflag:$0x5] =	stream.indirect_vreg.gather [hbm4b:s1+s3], $0x80, v4, vm0, $0xb8;
	[tilespmem:$0x12000] =	vst v63  }
0x89: {  	s23 =	simm.s32 $0xB800  }
0x8a: {  	[tilespmem:s23], [sflag:$0x5] =	stream.indirect_vreg.gather [hbm4b:s1+s3], $0x80, v3, vm0, $0xb8;
	[tilespmem:$0x12000] =	vst v63  }
0x8b: {  	_ =	swait.ge [sflag:s7], $0x2000  }
0x8c: {  	[sflag:s7] =	ssyncset.done $0x0  }
0x8d: {  	s0 =	rddreg [dreg:$0x6];
	[sflag:s7] =	ssyncadd.s32 $0xFFFFE000  }
0x8e: {  	[hbm4b:s0+s3] =	stream.linear.scatter [tilespmem:s19], [sflag:$0x9], $0x2000, $0x38;
	[tilespmem:$0x12000] =	vst v63  }
0x8f: {  	v3 =	vld [tilespmem:$0xA0];
	_ =	sdelay $0x4  }
0x90: {  	v58 =	vshll.u32 v3, $0x1  }
0x91: {  	v3 =	vand.u32 $0x7, v3;
	v4 =	vand.u32 $0xFFFFFFF0, v58  }
0x92: {  	v3 =	vor.u32 v3, v4  }
0x93: {  	v4 =	vperm.xlane v3, v0;
	_ =	sdelay $0x1  }
0x94: {  	v3 =	vperm.xlane v3, v2;
	v4 =	vadd.s32 v1, v4;
	_ =	sdelay $0x1  }
0x95: {  	v3 =	vadd.s32 v1, v3;
	_ =	sdelay $0x2  }
0x96: {  	[tilespmem:s28], [sflag:$0x6] =	stream.indirect_vreg.gather [hbm4b:s1+s3], $0x80, v4, vm0, $0xb8;
	[tilespmem:$0x12000] =	vst v63  }
0x97: {  	s8 =	simm.s32 $0xC800  }
0x98: {  	[tilespmem:s8], [sflag:$0x6] =	stream.indirect_vreg.gather [hbm4b:s1+s3], $0x80, v3, vm0, $0xb8;
	[tilespmem:$0x12000] =	vst v63  }
0x99: {  	v3 =	vld [tilespmem:$0xB0];
	_ =	sdelay $0x4  }
0x9a: {  	v59 =	vshll.u32 v3, $0x1  }
0x9b: {  	v3 =	vand.u32 $0x7, v3;
	v4 =	vand.u32 $0xFFFFFFF0, v59  }
0x9c: {  	v3 =	vor.u32 v3, v4  }
0x9d: {  	v4 =	vperm.xlane v3, v0;
	_ =	sdelay $0x1  }
0x9e: {  	v3 =	vperm.xlane v3, v2;
	v4 =	vadd.s32 v1, v4;
	_ =	sdelay $0x1  }
0x9f: {  	v3 =	vadd.s32 v1, v3;
	_ =	sdelay $0x1  }
0xa0: {  	s14 =	simm.s32 $0xD000  }
0xa1: {  	[tilespmem:s14], [sflag:$0x6] =	stream.indirect_vreg.gather [hbm4b:s1+s3], $0x80, v4, vm0, $0xb8;
	[tilespmem:$0x12000] =	vst v63  }
0xa2: {  	s19 =	simm.s32 $0xD800  }
0xa3: {  	[tilespmem:s19], [sflag:$0x6] =	stream.indirect_vreg.gather [hbm4b:s1+s3], $0x80, v3, vm0, $0xb8;
	[tilespmem:$0x12000] =	vst v63  }
0xa4: {  	_ =	swait.ge [sflag:s12], $0x2000  }
0xa5: {  	[sflag:s12] =	ssyncset.done $0x0  }
0xa6: {  	s23 =	rddreg [dreg:$0x7];
	[sflag:s12] =	ssyncadd.s32 $0xFFFFE000  }
0xa7: {  	[hbm4b:s23+s3] =	stream.linear.scatter [tilespmem:s16], [sflag:$0xA], $0x2000, $0x38;
	[tilespmem:$0x12000] =	vst v63  }
0xa8: {  	v3 =	vld [tilespmem:$0xC0];
	_ =	sdelay $0x4  }
0xa9: {  	v60 =	vshll.u32 v3, $0x1  }
0xaa: {  	v3 =	vand.u32 $0x7, v3;
	v4 =	vand.u32 $0xFFFFFFF0, v60  }
0xab: {  	v3 =	vor.u32 v3, v4  }
0xac: {  	v4 =	vperm.xlane v3, v0;
	_ =	sdelay $0x1  }
0xad: {  	v3 =	vperm.xlane v3, v2;
	v4 =	vadd.s32 v1, v4;
	_ =	sdelay $0x1  }
0xae: {  	v3 =	vadd.s32 v1, v3;
	_ =	sdelay $0x2  }
0xaf: {  	[tilespmem:s15], [sflag:$0x7] =	stream.indirect_vreg.gather [hbm4b:s1+s3], $0x80, v4, vm0, $0xb8;
	[tilespmem:$0x12000] =	vst v63  }
0xb0: {  	s28 =	simm.s32 $0xE800  }
0xb1: {  	[tilespmem:s28], [sflag:$0x7] =	stream.indirect_vreg.gather [hbm4b:s1+s3], $0x80, v3, vm0, $0xb8;
	[tilespmem:$0x12000] =	vst v63  }
0xb2: {  	v3 =	vld [tilespmem:$0xD0];
	_ =	sdelay $0x4  }
0xb3: {  	v61 =	vshll.u32 v3, $0x1  }
0xb4: {  	v3 =	vand.u32 $0x7, v3;
	v4 =	vand.u32 $0xFFFFFFF0, v61  }
0xb5: {  	v3 =	vor.u32 v3, v4  }
0xb6: {  	v4 =	vperm.xlane v3, v0;
	_ =	sdelay $0x1  }
0xb7: {  	v3 =	vperm.xlane v3, v2;
	v4 =	vadd.s32 v1, v4;
	_ =	sdelay $0x1  }
0xb8: {  	v3 =	vadd.s32 v1, v3;
	_ =	sdelay $0x1  }
0xb9: {  	s8 =	simm.s32 $0xF000  }
0xba: {  	[tilespmem:s8], [sflag:$0x7] =	stream.indirect_vreg.gather [hbm4b:s1+s3], $0x80, v4, vm0, $0xb8;
	[tilespmem:$0x12000] =	vst v63  }
0xbb: {  	s14 =	simm.s32 $0xF800  }
0xbc: {  	[tilespmem:s14], [sflag:$0x7] =	stream.indirect_vreg.gather [hbm4b:s1+s3], $0x80, v3, vm0, $0xb8;
	[tilespmem:$0x12000] =	vst v63  }
0xbd: {  	_ =	swait.ge [sflag:s17], $0x2000  }
0xbe: {  	[sflag:s17] =	ssyncset.done $0x0  }
0xbf: {  	s15 =	rddreg [dreg:$0x8];
	[sflag:s17] =	ssyncadd.s32 $0xFFFFE000  }
0xc0: {  	[hbm4b:s15+s3] =	stream.linear.scatter [tilespmem:s13], [sflag:$0xB], $0x2000, $0x38;
	[tilespmem:$0x12000] =	vst v63  }
0xc1: {  	v3 =	vld [tilespmem:$0xE0];
	_ =	sdelay $0x4  }
0xc2: {  	v62 =	vshll.u32 v3, $0x1  }
0xc3: {  	v3 =	vand.u32 $0x7, v3;
	v4 =	vand.u32 $0xFFFFFFF0, v62  }
0xc4: {  	v3 =	vor.u32 v3, v4  }
0xc5: {  	v4 =	vperm.xlane v3, v0;
	_ =	sdelay $0x1  }
0xc6: {  	v3 =	vperm.xlane v3, v2;
	v4 =	vadd.s32 v1, v4;
	_ =	sdelay $0x1  }
0xc7: {  	v3 =	vadd.s32 v1, v3;
	_ =	sdelay $0x2  }
0xc8: {  	[tilespmem:s18], [sflag:$0x8] =	stream.indirect_vreg.gather [hbm4b:s1+s3], $0x80, v4, vm0, $0xb8;
	[tilespmem:$0x12000] =	vst v63  }
0xc9: {  	s16 =	simm.s32 $0x10800  }
0xca: {  	[tilespmem:s16], [sflag:$0x8] =	stream.indirect_vreg.gather [hbm4b:s1+s3], $0x80, v3, vm0, $0xb8;
	[tilespmem:$0x12000] =	vst v63  }
0xcb: {  	v3 =	vld [tilespmem:$0xF0];
	_ =	sdelay $0x4  }
0xcc: {  	v63 =	vshll.u32 v3, $0x1  }
0xcd: {  	v3 =	vand.u32 $0x7, v3;
	v4 =	vand.u32 $0xFFFFFFF0, v63  }
0xce: {  	v3 =	vor.u32 v3, v4  }
0xcf: {  	v4 =	vperm.xlane v3, v0;
	_ =	sdelay $0x1  }
0xd0: {  	v3 =	vperm.xlane v3, v2;
	v4 =	vadd.s32 v1, v4;
	_ =	sdelay $0x1  }
0xd1: {  	v3 =	vadd.s32 v1, v3;
	_ =	sdelay $0x1  }
0xd2: {  	s19 =	simm.s32 $0x11000  }
0xd3: {  	[tilespmem:s19], [sflag:$0x8] =	stream.indirect_vreg.gather [hbm4b:s1+s3], $0x80, v4, vm0, $0xb8;
	[tilespmem:$0x12000] =	vst v63  }
0xd4: {  	s23 =	simm.s32 $0x11800  }
0xd5: {  	[tilespmem:s23], [sflag:$0x8] =	stream.indirect_vreg.gather [hbm4b:s1+s3], $0x80, v3, vm0, $0xb8;
	[tilespmem:$0x12000] =	vst v63  }
0xd6: {  	s8 =	simm.s32 $0x6000;
	s14 =	simm.s32 $0x1F0;
	_ =	swait.ge [sflag:s24], $0x2000  }
0xd7: {  	s16 =	simm.s32 $0x0;
	s19 =	simm.s32 $0x2000;
	[sflag:s24] =	ssyncset.done $0x0  }
0xd8: {  	s23 =	simm.s32 $0x4000;
	s28 =	rddreg [dreg:$0x9];
	[sflag:s24] =	ssyncadd.s32 $0xFFFFE000  }
0xd9: {  	[hbm4b:s28+s3] =	stream.linear.scatter [tilespmem:s22], [sflag:$0xC], $0x2000, $0x38;
	[tilespmem:$0x12000] =	vst v63  }
.LBB2_2:
0xda: {  	_ =	swait.ge [sflag:s25], $0x2000  }
0xdb: {  	[sflag:s25] =	ssyncset.done $0x0  }
0xdc: {  	[sflag:s25] =	ssyncadd.s32 $0xFFFFE000  }
0xdd: {  	v3 =	vld [tilespmem:s14+$0xFFFFFF10];
	_ =	sdelay $0x4  }
0xde: {  	v4 =	vshll.u32 v3, $0x1  }
0xdf: {  	v3 =	vand.u32 $0x7, v3;
	v4 =	vand.u32 $0xFFFFFFF0, v4  }
0xe0: {  	v3 =	vor.u32 v3, v4  }
0xe1: {  	v4 =	vperm.xlane v3, v0;
	_ =	sdelay $0x1  }
0xe2: {  	v3 =	vperm.xlane v3, v2;
	v4 =	vadd.s32 v1, v4;
	_ =	sdelay $0x1  }
0xe3: {  	v3 =	vadd.s32 v1, v3;
	_ =	sdelay $0x2  }
0xe4: {  	[tilespmem:s19], [sflag:$0x1] =	stream.indirect_vreg.gather [hbm4b:s1+s3], $0x80, v4, vm0, $0xb8;
	[tilespmem:$0x12000] =	vst v63  }
0xe5: {  	_ = 	snop  }
0xe6: {  	[tilespmem:s20], [sflag:$0x1] =	stream.indirect_vreg.gather [hbm4b:s1+s3], $0x80, v3, vm0, $0xb8;
	[tilespmem:$0x12000] =	vst v63  }
0xe7: {  	v3 =	vld [tilespmem:s14+$0xFFFFFF20];
	_ =	sdelay $0x4  }
0xe8: {  	v49 =	vshll.u32 v3, $0x1  }
0xe9: {  	v3 =	vand.u32 $0x7, v3;
	v4 =	vand.u32 $0xFFFFFFF0, v49  }
0xea: {  	v3 =	vor.u32 v3, v4  }
0xeb: {  	v4 =	vperm.xlane v3, v0;
	_ =	sdelay $0x1  }
0xec: {  	v3 =	vperm.xlane v3, v2;
	v4 =	vadd.s32 v1, v4;
	_ =	sdelay $0x1  }
0xed: {  	v3 =	vadd.s32 v1, v3;
	_ =	sdelay $0x2  }
0xee: {  	[tilespmem:s21], [sflag:$0x1] =	stream.indirect_vreg.gather [hbm4b:s1+s3], $0x80, v4, vm0, $0xb8;
	[tilespmem:$0x12000] =	vst v63  }
0xef: {  	s0 =	simm.s32 $0x3800  }
0xf0: {  	[tilespmem:s0], [sflag:$0x1] =	stream.indirect_vreg.gather [hbm4b:s1+s3], $0x80, v3, vm0, $0xb8;
	[tilespmem:$0x12000] =	vst v63  }
0xf1: {  	_ =	swait.ge [sflag:s26], $0x2000  }
0xf2: {  	s21 =	rddreg [dreg:$0x4]  }
0xf3: {  	[sflag:s26] =	ssyncset.done $0x0;
	s20 =	sadd.s32 s16, s21  }
0xf4: {  	s28 =	simm.s32 $0xA000;
	[sflag:s26] =	ssyncadd.s32 $0xFFFFE000;
	s0 =	sadd.s32 $0x1000, s20  }
0xf5: {  	[hbm4b:s0+s3] =	stream.linear.scatter [tilespmem:s28], [sflag:$0xD], $0x2000, $0x38;
	[tilespmem:$0x12000] =	vst v63  }
0xf6: {  	_ =	swait.ge [sflag:s29], $0x2000  }
0xf7: {  	[sflag:s29] =	ssyncset.done $0x0  }
0xf8: {  	[sflag:s29] =	ssyncadd.s32 $0xFFFFE000  }
0xf9: {  	v3 =	vld [tilespmem:s14+$0xFFFFFF30];
	_ =	sdelay $0x4  }
0xfa: {  	v50 =	vshll.u32 v3, $0x1  }
0xfb: {  	v3 =	vand.u32 $0x7, v3;
	v4 =	vand.u32 $0xFFFFFFF0, v50  }
0xfc: {  	v3 =	vor.u32 v3, v4  }
0xfd: {  	v4 =	vperm.xlane v3, v0;
	_ =	sdelay $0x1  }
0xfe: {  	v3 =	vperm.xlane v3, v2;
	v4 =	vadd.s32 v1, v4;
	_ =	sdelay $0x1  }
0xff: {  	v3 =	vadd.s32 v1, v3;
	_ =	sdelay $0x2  }
0x100: {  	[tilespmem:s23], [sflag:$0x2] =	stream.indirect_vreg.gather [hbm4b:s1+s3], $0x80, v4, vm0, $0xb8;
	[tilespmem:$0x12000] =	vst v63  }
0x101: {  	s13 =	simm.s32 $0x4800  }
0x102: {  	[tilespmem:s13], [sflag:$0x2] =	stream.indirect_vreg.gather [hbm4b:s1+s3], $0x80, v3, vm0, $0xb8;
	[tilespmem:$0x12000] =	vst v63  }
0x103: {  	v3 =	vld [tilespmem:s14+$0xFFFFFF40];
	_ =	sdelay $0x4  }
0x104: {  	v51 =	vshll.u32 v3, $0x1  }
0x105: {  	v3 =	vand.u32 $0x7, v3;
	v4 =	vand.u32 $0xFFFFFFF0, v51  }
0x106: {  	v3 =	vor.u32 v3, v4  }
0x107: {  	v4 =	vperm.xlane v3, v0;
	_ =	sdelay $0x1  }
0x108: {  	v3 =	vperm.xlane v3, v2;
	v4 =	vadd.s32 v1, v4;
	_ =	sdelay $0x1  }
0x109: {  	v3 =	vadd.s32 v1, v3;
	_ =	sdelay $0x1  }
0x10a: {  	s15 =	simm.s32 $0x5000  }
0x10b: {  	[tilespmem:s15], [sflag:$0x2] =	stream.indirect_vreg.gather [hbm4b:s1+s3], $0x80, v4, vm0, $0xb8;
	[tilespmem:$0x12000] =	vst v63  }
0x10c: {  	s21 =	simm.s32 $0x5800  }
0x10d: {  	[tilespmem:s21], [sflag:$0x2] =	stream.indirect_vreg.gather [hbm4b:s1+s3], $0x80, v3, vm0, $0xb8;
	[tilespmem:$0x12000] =	vst v63  }
0x10e: {  	_ =	swait.ge [sflag:s30], $0x2000  }
0x10f: {  	[sflag:s30] =	ssyncset.done $0x0  }
0x110: {  	s13 =	sadd.s32 $0x1400, s20;
	s15 =	simm.s32 $0xC000;
	[sflag:s30] =	ssyncadd.s32 $0xFFFFE000  }
0x111: {  	[hbm4b:s13+s3] =	stream.linear.scatter [tilespmem:s15], [sflag:$0xE], $0x2000, $0x38;
	[tilespmem:$0x12000] =	vst v63  }
0x112: {  	_ =	swait.ge [sflag:s31], $0x2000  }
0x113: {  	[sflag:s31] =	ssyncset.done $0x0  }
0x114: {  	[sflag:s31] =	ssyncadd.s32 $0xFFFFE000  }
0x115: {  	v3 =	vld [tilespmem:s14+$0xFFFFFF50];
	_ =	sdelay $0x4  }
0x116: {  	v52 =	vshll.u32 v3, $0x1  }
0x117: {  	v3 =	vand.u32 $0x7, v3;
	v4 =	vand.u32 $0xFFFFFFF0, v52  }
0x118: {  	v3 =	vor.u32 v3, v4  }
0x119: {  	v4 =	vperm.xlane v3, v0;
	_ =	sdelay $0x1  }
0x11a: {  	v3 =	vperm.xlane v3, v2;
	v4 =	vadd.s32 v1, v4;
	_ =	sdelay $0x1  }
0x11b: {  	v3 =	vadd.s32 v1, v3;
	_ =	sdelay $0x2  }
0x11c: {  	[tilespmem:s8], [sflag:$0x3] =	stream.indirect_vreg.gather [hbm4b:s1+s3], $0x80, v4, vm0, $0xb8;
	[tilespmem:$0x12000] =	vst v63  }
0x11d: {  	s21 =	simm.s32 $0x6800  }
0x11e: {  	[tilespmem:s21], [sflag:$0x3] =	stream.indirect_vreg.gather [hbm4b:s1+s3], $0x80, v3, vm0, $0xb8;
	[tilespmem:$0x12000] =	vst v63  }
0x11f: {  	v3 =	vld [tilespmem:s14+$0xFFFFFF60];
	_ =	sdelay $0x4  }
0x120: {  	v53 =	vshll.u32 v3, $0x1  }
0x121: {  	v3 =	vand.u32 $0x7, v3;
	v4 =	vand.u32 $0xFFFFFFF0, v53  }
0x122: {  	v3 =	vor.u32 v3, v4  }
0x123: {  	v4 =	vperm.xlane v3, v0;
	_ =	sdelay $0x1  }
0x124: {  	v3 =	vperm.xlane v3, v2;
	v4 =	vadd.s32 v1, v4;
	_ =	sdelay $0x1  }
0x125: {  	v3 =	vadd.s32 v1, v3;
	_ =	sdelay $0x1  }
0x126: {  	s13 =	simm.s32 $0x7000  }
0x127: {  	[tilespmem:s13], [sflag:$0x3] =	stream.indirect_vreg.gather [hbm4b:s1+s3], $0x80, v4, vm0, $0xb8;
	[tilespmem:$0x12000] =	vst v63  }
0x128: {  	s21 =	simm.s32 $0x7800  }
0x129: {  	[tilespmem:s21], [sflag:$0x3] =	stream.indirect_vreg.gather [hbm4b:s1+s3], $0x80, v3, vm0, $0xb8;
	[tilespmem:$0x12000] =	vst v63  }
0x12a: {  	_ =	swait.ge [sflag:s2], $0x2000  }
0x12b: {  	[sflag:s2] =	ssyncset.done $0x0  }
0x12c: {  	s0 =	sadd.s32 $0x1800, s20;
	s13 =	simm.s32 $0xE000;
	[sflag:s2] =	ssyncadd.s32 $0xFFFFE000  }
0x12d: {  	[hbm4b:s0+s3] =	stream.linear.scatter [tilespmem:s13], [sflag:$0xF], $0x2000, $0x38;
	[tilespmem:$0x12000] =	vst v63  }
0x12e: {  	_ =	swait.ge [sflag:s4], $0x2000  }
0x12f: {  	[sflag:s4] =	ssyncset.done $0x0  }
0x130: {  	[sflag:s4] =	ssyncadd.s32 $0xFFFFE000  }
0x131: {  	v3 =	vld [tilespmem:s14+$0xFFFFFF70];
	_ =	sdelay $0x4  }
0x132: {  	v54 =	vshll.u32 v3, $0x1  }
0x133: {  	v3 =	vand.u32 $0x7, v3;
	v4 =	vand.u32 $0xFFFFFFF0, v54  }
0x134: {  	v3 =	vor.u32 v3, v4  }
0x135: {  	v4 =	vperm.xlane v3, v0;
	_ =	sdelay $0x1  }
0x136: {  	v3 =	vperm.xlane v3, v2;
	v4 =	vadd.s32 v1, v4;
	_ =	sdelay $0x1  }
0x137: {  	v3 =	vadd.s32 v1, v3;
	_ =	sdelay $0x2  }
0x138: {  	[tilespmem:s22], [sflag:$0x4] =	stream.indirect_vreg.gather [hbm4b:s1+s3], $0x80, v4, vm0, $0xb8;
	[tilespmem:$0x12000] =	vst v63  }
0x139: {  	s21 =	simm.s32 $0x8800  }
0x13a: {  	[tilespmem:s21], [sflag:$0x4] =	stream.indirect_vreg.gather [hbm4b:s1+s3], $0x80, v3, vm0, $0xb8;
	[tilespmem:$0x12000] =	vst v63  }
0x13b: {  	v3 =	vld [tilespmem:s14+$0xFFFFFF80];
	_ =	sdelay $0x4  }
0x13c: {  	v55 =	vshll.u32 v3, $0x1  }
0x13d: {  	v3 =	vand.u32 $0x7, v3;
	v4 =	vand.u32 $0xFFFFFFF0, v55  }
0x13e: {  	v3 =	vor.u32 v3, v4  }
0x13f: {  	v4 =	vperm.xlane v3, v0;
	_ =	sdelay $0x1  }
0x140: {  	v3 =	vperm.xlane v3, v2;
	v4 =	vadd.s32 v1, v4;
	_ =	sdelay $0x1  }
0x141: {  	v3 =	vadd.s32 v1, v3;
	_ =	sdelay $0x1  }
0x142: {  	s21 =	simm.s32 $0x9000  }
0x143: {  	[tilespmem:s21], [sflag:$0x4] =	stream.indirect_vreg.gather [hbm4b:s1+s3], $0x80, v4, vm0, $0xb8;
	[tilespmem:$0x12000] =	vst v63  }
0x144: {  	s21 =	simm.s32 $0x9800  }
0x145: {  	[tilespmem:s21], [sflag:$0x4] =	stream.indirect_vreg.gather [hbm4b:s1+s3], $0x80, v3, vm0, $0xb8;
	[tilespmem:$0x12000] =	vst v63  }
0x146: {  	_ =	swait.ge [sflag:s6], $0x2000  }
0x147: {  	[sflag:s6] =	ssyncset.done $0x0  }
0x148: {  	s0 =	sadd.s32 $0x1C00, s20;
	[sflag:s6] =	ssyncadd.s32 $0xFFFFE000  }
0x149: {  	[hbm4b:s0+s3] =	stream.linear.scatter [tilespmem:s18], [sflag:$0x10], $0x2000, $0x38;
	[tilespmem:$0x12000] =	vst v63  }
0x14a: {  	_ =	swait.ge [sflag:s9], $0x2000  }
0x14b: {  	[sflag:s9] =	ssyncset.done $0x0  }
0x14c: {  	[sflag:s9] =	ssyncadd.s32 $0xFFFFE000  }
0x14d: {  	v3 =	vld [tilespmem:s14+$0xFFFFFF90];
	_ =	sdelay $0x4  }
0x14e: {  	v56 =	vshll.u32 v3, $0x1  }
0x14f: {  	v3 =	vand.u32 $0x7, v3;
	v4 =	vand.u32 $0xFFFFFFF0, v56  }
0x150: {  	v3 =	vor.u32 v3, v4  }
0x151: {  	v4 =	vperm.xlane v3, v0;
	_ =	sdelay $0x1  }
0x152: {  	v3 =	vperm.xlane v3, v2;
	v4 =	vadd.s32 v1, v4;
	_ =	sdelay $0x1  }
0x153: {  	v3 =	vadd.s32 v1, v3;
	_ =	sdelay $0x2  }
0x154: {  	[tilespmem:s28], [sflag:$0x5] =	stream.indirect_vreg.gather [hbm4b:s1+s3], $0x80, v4, vm0, $0xb8;
	[tilespmem:$0x12000] =	vst v63  }
0x155: {  	s21 =	simm.s32 $0xA800  }
0x156: {  	[tilespmem:s21], [sflag:$0x5] =	stream.indirect_vreg.gather [hbm4b:s1+s3], $0x80, v3, vm0, $0xb8;
	[tilespmem:$0x12000] =	vst v63  }
0x157: {  	v3 =	vld [tilespmem:s14+$0xFFFFFFA0];
	_ =	sdelay $0x4  }
0x158: {  	v57 =	vshll.u32 v3, $0x1  }
0x159: {  	v3 =	vand.u32 $0x7, v3;
	v4 =	vand.u32 $0xFFFFFFF0, v57  }
0x15a: {  	v3 =	vor.u32 v3, v4  }
0x15b: {  	v4 =	vperm.xlane v3, v0;
	_ =	sdelay $0x1  }
0x15c: {  	v3 =	vperm.xlane v3, v2;
	v4 =	vadd.s32 v1, v4;
	_ =	sdelay $0x1  }
0x15d: {  	v3 =	vadd.s32 v1, v3;
	_ =	sdelay $0x1  }
0x15e: {  	s21 =	simm.s32 $0xB000  }
0x15f: {  	[tilespmem:s21], [sflag:$0x5] =	stream.indirect_vreg.gather [hbm4b:s1+s3], $0x80, v4, vm0, $0xb8;
	[tilespmem:$0x12000] =	vst v63  }
0x160: {  	s21 =	simm.s32 $0xB800  }
0x161: {  	[tilespmem:s21], [sflag:$0x5] =	stream.indirect_vreg.gather [hbm4b:s1+s3], $0x80, v3, vm0, $0xb8;
	[tilespmem:$0x12000] =	vst v63  }
0x162: {  	_ =	swait.ge [sflag:s7], $0x2000  }
0x163: {  	[sflag:s7] =	ssyncset.done $0x0  }
0x164: {  	s21 =	sadd.s32 $0x2000, s20;
	[sflag:s7] =	ssyncadd.s32 $0xFFFFE000  }
0x165: {  	[hbm4b:s21+s3] =	stream.linear.scatter [tilespmem:s19], [sflag:$0x9], $0x2000, $0x38;
	[tilespmem:$0x12000] =	vst v63  }
0x166: {  	_ =	swait.ge [sflag:s10], $0x2000  }
0x167: {  	[sflag:s10] =	ssyncset.done $0x0  }
0x168: {  	[sflag:s10] =	ssyncadd.s32 $0xFFFFE000  }
0x169: {  	v3 =	vld [tilespmem:s14+$0xFFFFFFB0];
	_ =	sdelay $0x4  }
0x16a: {  	v58 =	vshll.u32 v3, $0x1  }
0x16b: {  	v3 =	vand.u32 $0x7, v3;
	v4 =	vand.u32 $0xFFFFFFF0, v58  }
0x16c: {  	v3 =	vor.u32 v3, v4  }
0x16d: {  	v4 =	vperm.xlane v3, v0;
	_ =	sdelay $0x1  }
0x16e: {  	v3 =	vperm.xlane v3, v2;
	v4 =	vadd.s32 v1, v4;
	_ =	sdelay $0x1  }
0x16f: {  	v3 =	vadd.s32 v1, v3;
	_ =	sdelay $0x2  }
0x170: {  	[tilespmem:s15], [sflag:$0x6] =	stream.indirect_vreg.gather [hbm4b:s1+s3], $0x80, v4, vm0, $0xb8;
	[tilespmem:$0x12000] =	vst v63  }
0x171: {  	s21 =	simm.s32 $0xC800  }
0x172: {  	[tilespmem:s21], [sflag:$0x6] =	stream.indirect_vreg.gather [hbm4b:s1+s3], $0x80, v3, vm0, $0xb8;
	[tilespmem:$0x12000] =	vst v63  }
0x173: {  	v3 =	vld [tilespmem:s14+$0xFFFFFFC0];
	_ =	sdelay $0x4  }
0x174: {  	v59 =	vshll.u32 v3, $0x1  }
0x175: {  	v3 =	vand.u32 $0x7, v3;
	v4 =	vand.u32 $0xFFFFFFF0, v59  }
0x176: {  	v3 =	vor.u32 v3, v4  }
0x177: {  	v4 =	vperm.xlane v3, v0;
	_ =	sdelay $0x1  }
0x178: {  	v3 =	vperm.xlane v3, v2;
	v4 =	vadd.s32 v1, v4;
	_ =	sdelay $0x1  }
0x179: {  	v3 =	vadd.s32 v1, v3;
	_ =	sdelay $0x1  }
0x17a: {  	s21 =	simm.s32 $0xD000  }
0x17b: {  	[tilespmem:s21], [sflag:$0x6] =	stream.indirect_vreg.gather [hbm4b:s1+s3], $0x80, v4, vm0, $0xb8;
	[tilespmem:$0x12000] =	vst v63  }
0x17c: {  	s21 =	simm.s32 $0xD800  }
0x17d: {  	[tilespmem:s21], [sflag:$0x6] =	stream.indirect_vreg.gather [hbm4b:s1+s3], $0x80, v3, vm0, $0xb8;
	[tilespmem:$0x12000] =	vst v63  }
0x17e: {  	_ =	swait.ge [sflag:s12], $0x2000  }
0x17f: {  	[sflag:s12] =	ssyncset.done $0x0  }
0x180: {  	s15 =	sadd.s32 $0x2400, s20;
	[sflag:s12] =	ssyncadd.s32 $0xFFFFE000  }
0x181: {  	[hbm4b:s15+s3] =	stream.linear.scatter [tilespmem:s23], [sflag:$0xA], $0x2000, $0x38;
	[tilespmem:$0x12000] =	vst v63  }
0x182: {  	_ =	swait.ge [sflag:s11], $0x2000  }
0x183: {  	[sflag:s11] =	ssyncset.done $0x0  }
0x184: {  	[sflag:s11] =	ssyncadd.s32 $0xFFFFE000  }
0x185: {  	v3 =	vld [tilespmem:s14+$0xFFFFFFD0];
	_ =	sdelay $0x4  }
0x186: {  	v60 =	vshll.u32 v3, $0x1  }
0x187: {  	v3 =	vand.u32 $0x7, v3;
	v4 =	vand.u32 $0xFFFFFFF0, v60  }
0x188: {  	v3 =	vor.u32 v3, v4  }
0x189: {  	v4 =	vperm.xlane v3, v0;
	_ =	sdelay $0x1  }
0x18a: {  	v3 =	vperm.xlane v3, v2;
	v4 =	vadd.s32 v1, v4;
	_ =	sdelay $0x1  }
0x18b: {  	v3 =	vadd.s32 v1, v3;
	_ =	sdelay $0x2  }
0x18c: {  	[tilespmem:s13], [sflag:$0x7] =	stream.indirect_vreg.gather [hbm4b:s1+s3], $0x80, v4, vm0, $0xb8;
	[tilespmem:$0x12000] =	vst v63  }
0x18d: {  	s21 =	simm.s32 $0xE800  }
0x18e: {  	[tilespmem:s21], [sflag:$0x7] =	stream.indirect_vreg.gather [hbm4b:s1+s3], $0x80, v3, vm0, $0xb8;
	[tilespmem:$0x12000] =	vst v63  }
0x18f: {  	v3 =	vld [tilespmem:s14+$0xFFFFFFE0];
	_ =	sdelay $0x4  }
0x190: {  	v61 =	vshll.u32 v3, $0x1  }
0x191: {  	v3 =	vand.u32 $0x7, v3;
	v4 =	vand.u32 $0xFFFFFFF0, v61  }
0x192: {  	v3 =	vor.u32 v3, v4  }
0x193: {  	v4 =	vperm.xlane v3, v0;
	_ =	sdelay $0x1  }
0x194: {  	v3 =	vperm.xlane v3, v2;
	v4 =	vadd.s32 v1, v4;
	_ =	sdelay $0x1  }
0x195: {  	v3 =	vadd.s32 v1, v3;
	_ =	sdelay $0x1  }
0x196: {  	s21 =	simm.s32 $0xF000  }
0x197: {  	[tilespmem:s21], [sflag:$0x7] =	stream.indirect_vreg.gather [hbm4b:s1+s3], $0x80, v4, vm0, $0xb8;
	[tilespmem:$0x12000] =	vst v63  }
0x198: {  	s21 =	simm.s32 $0xF800  }
0x199: {  	[tilespmem:s21], [sflag:$0x7] =	stream.indirect_vreg.gather [hbm4b:s1+s3], $0x80, v3, vm0, $0xb8;
	[tilespmem:$0x12000] =	vst v63  }
0x19a: {  	_ =	swait.ge [sflag:s17], $0x2000  }
0x19b: {  	[sflag:s17] =	ssyncset.done $0x0  }
0x19c: {  	s13 =	sadd.s32 $0x2800, s20;
	[sflag:s17] =	ssyncadd.s32 $0xFFFFE000  }
0x19d: {  	[hbm4b:s13+s3] =	stream.linear.scatter [tilespmem:s8], [sflag:$0xB], $0x2000, $0x38;
	[tilespmem:$0x12000] =	vst v63  }
0x19e: {  	_ =	swait.ge [sflag:s5], $0x2000  }
0x19f: {  	[sflag:s5] =	ssyncset.done $0x0  }
0x1a0: {  	[sflag:s5] =	ssyncadd.s32 $0xFFFFE000  }
0x1a1: {  	v3 =	vld [tilespmem:s14+$0xFFFFFFF0];
	_ =	sdelay $0x4  }
0x1a2: {  	v62 =	vshll.u32 v3, $0x1  }
0x1a3: {  	v3 =	vand.u32 $0x7, v3;
	v4 =	vand.u32 $0xFFFFFFF0, v62  }
0x1a4: {  	v3 =	vor.u32 v3, v4  }
0x1a5: {  	v4 =	vperm.xlane v3, v0;
	_ =	sdelay $0x1  }
0x1a6: {  	v3 =	vperm.xlane v3, v2;
	v4 =	vadd.s32 v1, v4;
	_ =	sdelay $0x1  }
0x1a7: {  	v3 =	vadd.s32 v1, v3;
	_ =	sdelay $0x2  }
0x1a8: {  	[tilespmem:s18], [sflag:$0x8] =	stream.indirect_vreg.gather [hbm4b:s1+s3], $0x80, v4, vm0, $0xb8;
	[tilespmem:$0x12000] =	vst v63  }
0x1a9: {  	s13 =	simm.s32 $0x10800  }
0x1aa: {  	[tilespmem:s13], [sflag:$0x8] =	stream.indirect_vreg.gather [hbm4b:s1+s3], $0x80, v3, vm0, $0xb8;
	[tilespmem:$0x12000] =	vst v63  }
0x1ab: {  	v3 =	vld [tilespmem:s14+$0x0];
	_ =	sdelay $0x4  }
0x1ac: {  	v63 =	vshll.u32 v3, $0x1  }
0x1ad: {  	v3 =	vand.u32 $0x7, v3;
	v4 =	vand.u32 $0xFFFFFFF0, v63  }
0x1ae: {  	v3 =	vor.u32 v3, v4  }
0x1af: {  	v4 =	vperm.xlane v3, v0;
	_ =	sdelay $0x1  }
0x1b0: {  	v3 =	vperm.xlane v3, v2;
	v4 =	vadd.s32 v1, v4;
	_ =	sdelay $0x1  }
0x1b1: {  	v3 =	vadd.s32 v1, v3;
	_ =	sdelay $0x1  }
0x1b2: {  	s13 =	simm.s32 $0x11000  }
0x1b3: {  	[tilespmem:s13], [sflag:$0x8] =	stream.indirect_vreg.gather [hbm4b:s1+s3], $0x80, v4, vm0, $0xb8;
	[tilespmem:$0x12000] =	vst v63  }
0x1b4: {  	p0 =	sne.s32 s16, $0x3C000;
	s13 =	simm.s32 $0x11800  }
0x1b5: {  	[tilespmem:s13], [sflag:$0x8] =	stream.indirect_vreg.gather [hbm4b:s1+s3], $0x80, v3, vm0, $0xb8;
	[tilespmem:$0x12000] =	vst v63  }
.Ltmp0:
0x1b6: {  	s16 =	sadd.s32 $0x2000, s16;
	_ =	swait.ge [sflag:s24], $0x2000;
	(pc) =	sbr.rel @p0 .LBB2_2-.Ltmp0, $4  }
0x1b7: {  	s0 =	simm.s32 $0xA000;
	s28 =	simm.s32 $0xC000;
	[sflag:s24] =	ssyncset.done $0x0  }
0x1b8: {  	s15 =	simm.s32 $0xE000;
	s20 =	sadd.s32 $0x2C00, s20;
	[sflag:s24] =	ssyncadd.s32 $0xFFFFE000  }
0x1b9: {  	[hbm4b:s20+s3] =	stream.linear.scatter [tilespmem:s22], [sflag:$0xC], $0x2000, $0x38;
	[tilespmem:$0x12000] =	vst v63  }
0x1ba: {  	s21 =	simm.s32 $0x3000;
	s14 =	sadd.s32 $0x100, s14;
	s20 =	simm.s32 $0x2800  }
0x1bb: {  	_ =	swait.ge [sflag:s25], $0x2000  }
0x1bc: {  	[sflag:s25] =	ssyncset.done $0x0  }
0x1bd: {  	[sflag:s25] =	ssyncadd.s32 $0xFFFFE000  }
0x1be: {  	_ =	swait.ge [sflag:s26], $0x2000  }
0x1bf: {  	[sflag:s26] =	ssyncset.done $0x0  }
0x1c0: {  	s14 =	rddreg [dreg:$0xa];
	[sflag:s26] =	ssyncadd.s32 $0xFFFFE000  }
0x1c1: {  	[hbm4b:s14+s3] =	stream.linear.scatter [tilespmem:s0], [sflag:$0xD], $0x2000, $0x38;
	[tilespmem:$0x12000] =	vst v63  }
0x1c2: {  	_ =	swait.ge [sflag:s29], $0x2000  }
0x1c3: {  	[sflag:s29] =	ssyncset.done $0x0  }
0x1c4: {  	[sflag:s29] =	ssyncadd.s32 $0xFFFFE000  }
0x1c5: {  	_ =	swait.ge [sflag:s30], $0x2000  }
0x1c6: {  	[sflag:s30] =	ssyncset.done $0x0  }
0x1c7: {  	s16 =	rddreg [dreg:$0xb];
	[sflag:s30] =	ssyncadd.s32 $0xFFFFE000  }
0x1c8: {  	[hbm4b:s16+s3] =	stream.linear.scatter [tilespmem:s28], [sflag:$0xE], $0x2000, $0x38;
	[tilespmem:$0x12000] =	vst v63  }
0x1c9: {  	_ =	swait.ge [sflag:s31], $0x2000  }
0x1ca: {  	[sflag:s31] =	ssyncset.done $0x0  }
0x1cb: {  	[sflag:s31] =	ssyncadd.s32 $0xFFFFE000  }
0x1cc: {  	_ =	swait.ge [sflag:s2], $0x2000  }
0x1cd: {  	[sflag:s2] =	ssyncset.done $0x0  }
0x1ce: {  	s19 =	rddreg [dreg:$0xc];
	[sflag:s2] =	ssyncadd.s32 $0xFFFFE000  }
0x1cf: {  	[hbm4b:s19+s3] =	stream.linear.scatter [tilespmem:s15], [sflag:$0xF], $0x2000, $0x38;
	[tilespmem:$0x12000] =	vst v63  }
0x1d0: {  	_ =	swait.ge [sflag:s4], $0x2000  }
0x1d1: {  	[sflag:s4] =	ssyncset.done $0x0  }
0x1d2: {  	[sflag:s4] =	ssyncadd.s32 $0xFFFFE000  }
0x1d3: {  	_ =	swait.ge [sflag:s6], $0x2000  }
0x1d4: {  	[sflag:s6] =	ssyncset.done $0x0  }
0x1d5: {  	s22 =	rddreg [dreg:$0xd];
	[sflag:s6] =	ssyncadd.s32 $0xFFFFE000  }
0x1d6: {  	[hbm4b:s22+s3] =	stream.linear.scatter [tilespmem:s18], [sflag:$0x10], $0x2000, $0x38;
	[tilespmem:$0x12000] =	vst v63  }
0x1d7: {  	_ =	swait.ge [sflag:s9], $0x2000  }
0x1d8: {  	[sflag:s9] =	ssyncset.done $0x0  }
0x1d9: {  	[sflag:s9] =	ssyncadd.s32 $0xFFFFE000  }
0x1da: {  	_ =	swait.ge [sflag:s10], $0x2000  }
0x1db: {  	[sflag:s10] =	ssyncset.done $0x0  }
0x1dc: {  	[sflag:s10] =	ssyncadd.s32 $0xFFFFE000  }
0x1dd: {  	_ =	swait.ge [sflag:s11], $0x2000  }
0x1de: {  	[sflag:s11] =	ssyncset.done $0x0  }
0x1df: {  	[sflag:s11] =	ssyncadd.s32 $0xFFFFE000  }
0x1e0: {  	_ =	swait.ge [sflag:s5], $0x2000  }
0x1e1: {  	s8 =	rddreg [dreg:$0xf]  }
0x1e2: {  	s23 =	rddreg [dreg:$0xe];
	s8 =	sadd.s32 $0x1, s8  }
0x1e3: {  	p0 =	sne.s32 s8, s23  }
.Ltmp1:
0x1e4: {  	_ = 	snop;
	(pc) =	sbr.rel @p0 .LBB2_1-.Ltmp1, $4  }
0x1e5: {  	_ = 	snop  }
0x1e6: {  	s13 =	simm.s32 $0x4800;
	s16 =	simm.s32 $0x3800;
	[sflag:s5] =	ssyncset.done $0x0  }
0x1e7: {  	s19 =	simm.s32 $0x2000;
	s22 =	simm.s32 $0x5800;
	[sflag:s5] =	ssyncadd.s32 $0xFFFFE000  }
0x1e8: {  	[dreg:$0xf] =	wrdreg s8;
	s23 =	simm.s32 $0x5000;
	s8 =	simm.s32 $0x6800  }
0x1e9: {  	_ =	sfence.sel $0x180000  }
0x1ea: {  	[bflag:$0x0] =	sbarrier.arrive $0xFFFF  }
0x1eb: {  	_ =	strace $0x90000047  }
0x1ec: {  	s0 =	stileid.u32;
	[bflag:$0x2] =	sbarrier.arrive $0xFFFF  }
0x1ed: {  	p0 =	sne.s32 s0, $0x0;
	s0 =	rddreg [dreg:$0x3]  }
0x1ee: {  	s0 =	sadd.s32 @!p0 $0x100000, s0  }
0x1ef: {  	[sflag:s0] =	ssyncadd.tile.s32 @!p0 $0x1;
	_ =	shalt  }
.Lfunc_end2:
_tile_overlayer_lowered:
.L_overlay_start_2:
0x1f0: {  	(tag) =	ssettag $0x2  }
0x1f1: {  	s0 =	rddreg [dreg:$0x0];
	s2 =	stileid.u32  }
0x1f2: {  	s1 =	rddreg [dreg:$0x1];
	p0 =	sne.s32 s2, $0x0  }
0x1f3: {  	s3 =	rddreg [dreg:$0x2];
	[bflag:$0x3] =	sbarrier.arrive $0xFFFF;
	s2 =	simm.s32 @!p0 $0x1C11  }
0x1f4: {  	[timem:s3], [sflag:s2] =	dma.local @!p0 [hbm:s0], s1  }
0x1f5: {  	s0 =	simm.s32 @!p0 $0x11  }
0x1f6: {  	_ =	swait.ge @!p0 [sflag:s0], s1  }
0x1f7: {  	s1 =	ssub.s32 @!p0 $0x0, s1;
	[sflag:s0] =	ssyncset.done @!p0 $0x0  }
0x1f8: {  	[sflag:s0] =	ssyncadd.s32 @!p0 s1  }
0x1f9: {  	[bflag:$0x3] =	sbarrier.arrive $0xFFFF  }
0x1fa: {  	_ =	shalt  }

</sc_bundles>
